<compile_context>
chip_gen: v7x
topology: tpu7x:2x2x1
jax: 0.10.2.dev20260603
libtpu: 0.0.44.dev20260713+nightly
codegen_flags: <defaults>
</compile_context>

<pallas_src>
import dataclasses

import jax
import jax.numpy as jnp
from jax import lax
from jax.experimental import pallas as pl
from jax.experimental.pallas import tpu as pltpu
from jax.experimental.pallas import tpu_sc as plsc

N = 512
E = 2048
D = 128
H = 64

_NUM_WORKERS = 32
_RPW = N // _NUM_WORKERS
_LANES = 16
_CPW = 2 * E // _NUM_WORKERS
_CCAP = _CPW + 2 * _LANES

_BG_BI = 32768


def _edge_scores_body(emb_ref, ei_ref, qw_ref, qb_ref, kw_ref,
                      kb_ref, vw_ref, vb_ref, w1t_ref, b1_ref, w2_ref, b2_ref,
                      w3r_ref, b3_ref, pw_ref, sf_ref, sb_ref, vp_ref):
    f32 = jnp.float32

    def t0dot(a, b):
        return lax.dot_general(a, b, (((0,), (0,)), ((), ())),
                               preferred_element_type=f32)

    emb = emb_ref[...]
    qe = jnp.dot(emb, qw_ref[...], preferred_element_type=f32) + qb_ref[...]
    ke = jnp.dot(emb, kw_ref[...], preferred_element_type=f32) + kb_ref[...]
    ve = jnp.dot(emb, vw_ref[...], preferred_element_type=f32) + vb_ref[...]
    vp_ref[...] = jnp.dot(ve, pw_ref[...], preferred_element_type=f32)

    ei = ei_ref[...]
    row_iota = lax.broadcasted_iota(jnp.int32, (N, E), 0)
    oh_src = (ei[0:1, :] == row_iota).astype(f32)
    oh_dst = (ei[1:2, :] == row_iota).astype(f32)
    qst = t0dot(qe, oh_src)
    kdt = t0dot(ke, oh_dst)

    w1t = w1t_ref[...]
    w1at = w1t[:, 0:D]
    w1bt = w1t[:, D:2 * D]
    b1c = jnp.transpose(b1_ref[...], (1, 0))
    b2c = jnp.transpose(b2_ref[...], (1, 0))

    def mlp(a, b):
        h = jnp.dot(w1at, a, preferred_element_type=f32)
        h = h + jnp.dot(w1bt, b, preferred_element_type=f32) + b1c
        h = jnp.maximum(h, 0.0)
        h = t0dot(w2_ref[...], h) + b2c
        h = jnp.maximum(h, 0.0)
        s = jnp.dot(w3r_ref[...], h, preferred_element_type=f32)
        s = s + b3_ref[...]
        return jnp.where(s >= 0.0, s, 0.2 * s)

    sf_ref[...] = mlp(qst, kdt)
    sb_ref[...] = mlp(kdt, qst)


def _edge_scores(emb, ei, qw, qb, kw, kb, vw, vb, w1t, b1, w2, b2, w3r, b3,
                 pw):
    f32 = jnp.float32
    return pl.pallas_call(
        _edge_scores_body,
        out_shape=[
            jax.ShapeDtypeStruct((1, E), f32),
            jax.ShapeDtypeStruct((1, E), f32),
            jax.ShapeDtypeStruct((N, D), f32),
        ],
    )(emb, ei, qw, qb, kw, kb, vw, vb, w1t, b1, w2, b2, w3r, b3, pw)


def _sc_prep_body(src_hbm, dst_hbm, sf_hbm, sb_hbm, vp_hbm, pb_hbm,
                  cells_hbm, val_hbm, a_v, src_v, dst_v, sf_v, sb_v, pb_v,
                  cl_v, cg_v, cols_v, pvals_v, vpr_v, val_v, sem):
    wid = lax.axis_index("s") * 2 + lax.axis_index("c")
    lo = wid * _RPW

    in_cps = [pltpu.async_copy(s, d, sem) for s, d in
              ((src_hbm, src_v), (dst_hbm, dst_v), (sf_hbm, sf_v),
               (sb_hbm, sb_v), (pb_hbm, pb_v))]
    for c in in_cps:
        c.wait()

    neg_inf = jnp.full((_LANES,), -jnp.inf, jnp.float32)
    zero16 = jnp.zeros((_LANES,), jnp.int32)

    @plsc.parallel_loop(0, _RPW * N, step=_LANES, unroll=8)
    def _(k):
        a_v[pl.ds(k, _LANES)] = neg_inf

    @plsc.parallel_loop(0, _CCAP, step=_LANES)
    def _(k):
        cl_v[pl.ds(k, _LANES)] = zero16

    def phase(row_of, col_of, val_of, cnt0):
        @pl.loop(0, E, step=_LANES, init_carry=cnt0, unroll=2)
        def cnt(e, cnt):
            r16 = row_of[pl.ds(e, _LANES)]
            c16 = col_of[pl.ds(e, _LANES)]
            v16 = val_of[pl.ds(e, _LANES)]
            rel = r16 - lo
            m = (rel >= 0) & (rel < _RPW)
            idx = jnp.where(m, rel * N + c16, 0)
            plsc.store_scatter(a_v, [idx], v16, mask=m)
            plsc.store_compressed(cl_v.at[pl.ds(cnt, _LANES)], idx, mask=m)
            return cnt + plsc.all_reduce_population_count(m)[0]

        return cnt

    c1 = phase(src_v, dst_v, sf_v, jnp.int32(0))
    phase(dst_v, src_v, sb_v, c1)

    @pl.loop(0, _RPW)
    def _(r):
        base = r * N

        @plsc.parallel_loop(0, N, step=_LANES, unroll=8,
                            carry=neg_inf)
        def mvec(k, acc):
            return jnp.maximum(acc, a_v[pl.ds(base + k, _LANES)])

        mb = jnp.broadcast_to(jnp.max(mvec), (_LANES,))

        @plsc.parallel_loop(0, N, step=_LANES, unroll=8,
                            carry=jnp.zeros((_LANES,), jnp.float32))
        def svec(k, acc):
            ex = jnp.exp(a_v[pl.ds(base + k, _LANES)] - mb)
            a_v[pl.ds(base + k, _LANES)] = ex
            return acc + ex

        inv = jnp.full((_LANES,), 1.0, jnp.float32) / jnp.broadcast_to(
            jnp.sum(svec), (_LANES,))

        @plsc.parallel_loop(0, N, step=_LANES, unroll=8)
        def _(k):
            a_v[pl.ds(base + k, _LANES)] = a_v[pl.ds(base + k, _LANES)] * inv

    @plsc.parallel_loop(0, _CPW, step=_LANES)
    def _(k):
        cells = cl_v[pl.ds(k, _LANES)]
        cols_v[pl.ds(k, _LANES)] = cells & (N - 1)
        cg_v[0, pl.ds(k, _LANES)] = cells + lo * N
        pvals_v[pl.ds(k, _LANES)] = plsc.load_gather(a_v, [cells])

    pltpu.async_copy(vp_hbm.at[cols_v], vpr_v, sem).wait()

    @plsc.parallel_loop(0, _CPW, unroll=4)
    def _(c):
        p = plsc.load_gather(pvals_v, [jnp.broadcast_to(c, (_LANES,))])
        for k in range(D // _LANES):
            sl = pl.ds(k * _LANES, _LANES)
            val_v[c, sl] = p * vpr_v[c, sl] + pb_v[sl]

    pltpu.sync_copy(cg_v, cells_hbm.at[wid])
    pltpu.sync_copy(val_v, val_hbm.at[pl.ds(wid * _CPW, _CPW)])


def _sc_prep(src, dst, sf, sb, vp, pb):
    mesh = plsc.VectorSubcoreMesh(core_axis_name="c", subcore_axis_name="s")
    cp = pltpu.CompilerParams()
    if "needs_layout_passes" in pltpu.CompilerParams.__dataclass_fields__:
        cp = dataclasses.replace(cp, needs_layout_passes=False)
    return pl.kernel(
        _sc_prep_body,
        out_type=[
            jax.ShapeDtypeStruct((_NUM_WORKERS, 1, _CPW), jnp.int32),
            jax.ShapeDtypeStruct((_NUM_WORKERS * _CPW, D), jnp.float32),
        ],
        mesh=mesh,
        compiler_params=cp,
        scratch_types=[
            pltpu.VMEM((_RPW * N,), jnp.float32),
            pltpu.VMEM((E,), jnp.int32),
            pltpu.VMEM((E,), jnp.int32),
            pltpu.VMEM((E,), jnp.float32),
            pltpu.VMEM((E,), jnp.float32),
            pltpu.VMEM((D,), jnp.float32),
            pltpu.VMEM((_CCAP,), jnp.int32),
            pltpu.VMEM((1, _CPW), jnp.int32),
            pltpu.VMEM((_CPW,), jnp.int32),
            pltpu.VMEM((_CPW,), jnp.float32),
            pltpu.VMEM((_CPW, D), jnp.float32),
            pltpu.VMEM((_CPW, D), jnp.float32),
            pltpu.SemaphoreType.DMA,
        ],
    )(src, dst, sf, sb, vp, pb)


def _background_body(pb_ref, out_ref):
    out_ref[...] = jnp.broadcast_to(pb_ref[...], (_BG_BI, D))


def _background(pb_row):
    return pl.pallas_call(
        _background_body,
        grid=(N * N // _BG_BI,),
        in_specs=[pl.BlockSpec((1, D), lambda i: (0, 0))],
        out_specs=pl.BlockSpec((_BG_BI, D), lambda i: (i, 0)),
        out_shape=jax.ShapeDtypeStruct((N * N, D), jnp.float32),
    )(pb_row)


def _sc_correct_body(cells_hbm, val_hbm, buf_ref, idx_v, val_v):
    wid = lax.axis_index("s") * 2 + lax.axis_index("c")
    pltpu.sync_copy(cells_hbm.at[wid], idx_v)
    pltpu.sync_copy(val_hbm.at[pl.ds(wid * _CPW, _CPW)], val_v)
    pltpu.sync_copy(val_v, buf_ref.at[idx_v.at[0]])


def _sc_correct(cells, val, buf):
    mesh = plsc.VectorSubcoreMesh(core_axis_name="c", subcore_axis_name="s")
    cp = pltpu.CompilerParams()
    if "needs_layout_passes" in pltpu.CompilerParams.__dataclass_fields__:
        cp = dataclasses.replace(cp, needs_layout_passes=False)
    return pl.kernel(
        _sc_correct_body,
        out_type=(),
        mesh=mesh,
        compiler_params=cp,
        scratch_types=[
            pltpu.VMEM((1, _CPW), jnp.int32),
            pltpu.VMEM((_CPW, D), jnp.float32),
        ],
    )(cells, val, buf)


@jax.jit
def kernel(embeddings, edge_index, Qw, Qb, Kw, Kb, Vw, Vb, W1, b1, W2, b2,
           W3, b3, Pw, Pb):
    src = edge_index[0].astype(jnp.int32)
    dst = edge_index[1].astype(jnp.int32)

    sf, sb, vp = _edge_scores(
        embeddings, edge_index.astype(jnp.int32),
        Qw, Qb.reshape(1, D), Kw, Kb.reshape(1, D), Vw, Vb.reshape(1, D),
        W1.T, b1.reshape(1, H), W2, b2.reshape(1, H), W3.reshape(1, H),
        b3.reshape(1, 1), Pw)

    cells, val = _sc_prep(src, dst, sf.reshape(E), sb.reshape(E), vp, Pb)

    buf = jax.new_ref(_background(Pb.reshape(1, D)))
    _sc_correct(cells, val, buf)
    return buf[...].reshape(N, N, D)

# --- scband reference (transcript-rebuilt; emitter-appended) ---
"""Pipeline reference for scband-ge-atlayer-76622216561260 (READ-ONLY COPY).

The authoritative reference and input builder live on the scoring server;
editing this copy changes nothing except your own understanding.
"""

import jax, jax.numpy as jnp
import numpy as np

N = 512
E = 2048
D = 128
H = 64


def setup_inputs(seed: int = 0) -> dict:
    key = jax.random.key(seed)
    ks = jax.random.split(key, 12)
    embeddings = jax.random.normal(ks[0], (N, D), dtype=jnp.float32)
    # every node appears >=4 times as src and as dst so no softmax row is all -inf
    src = jax.random.permutation(ks[1], jnp.arange(E) % N)
    dst = jax.random.permutation(ks[2], jnp.arange(E) % N)
    edge_index = jnp.stack([src, dst], axis=0)

    def lin(k, fan_in, fan_out):
        return (jax.random.normal(k, (fan_in, fan_out), dtype=jnp.float32) / np.sqrt(fan_in))

    params = {
        'Qw': lin(ks[3], D, D), 'Qb': jnp.zeros((D,), jnp.float32),
        'Kw': lin(ks[4], D, D), 'Kb': jnp.zeros((D,), jnp.float32),
        'Vw': lin(ks[5], D, D), 'Vb': jnp.zeros((D,), jnp.float32),
        'W1': lin(ks[6], 2 * D, H), 'b1': jnp.zeros((H,), jnp.float32),
        'W2': lin(ks[7], H, H), 'b2': jnp.zeros((H,), jnp.float32),
        'W3': lin(ks[8], H, 1), 'b3': jnp.zeros((1,), jnp.float32),
        'Pw': lin(ks[9], D, D), 'Pb': jnp.zeros((D,), jnp.float32),
    }
    out = {'embeddings': embeddings, 'edge_index': edge_index}
    out.update(params)
    return out


def reference(embeddings, edge_index, Qw, Qb, Kw, Kb, Vw, Vb, W1, b1, W2, b2, W3, b3, Pw, Pb):
    src = edge_index[0]
    dst = edge_index[1]
    n = embeddings.shape[0]
    # Q/K/V projections (GeATLayer.Q_w, K_w, V_w)
    Qe = embeddings @ Qw + Qb
    Ke = embeddings @ Kw + Kb
    Ve = embeddings @ Vw + Vb

    def edge_attention(a, b):
        # EdgeAttention: Linear(2D,H) -> ReLU -> Linear(H,H) -> ReLU -> Linear(H,1) -> LeakyReLU(0.2)
        e = jnp.concatenate([a, b], axis=-1)
        h = jax.nn.relu(e @ W1 + b1)
        h = jax.nn.relu(h @ W2 + b2)
        s = h @ W3 + b3
        s = jnp.where(s >= 0, s, 0.2 * s)
        return s[:, 0]

    # single edge group, bond_type 0, single head (num_heads=1)
    s_fwd = edge_attention(Qe[src], Ke[dst])
    s_bwd = edge_attention(Ke[dst], Qe[src])

    A = jnp.full((n, n), -jnp.inf, dtype=jnp.float32)
    A = A.at[src, dst].set(s_fwd)
    A = A.at[dst, src].set(s_bwd)
    # padding mask (src == -1 / dst == -1) is vacuous: indices are non-negative here
    A = jax.nn.softmax(A, axis=-1)

    weighed = A[:, :, None] * Ve[None, :, :]  # [N, N, D]
    out = weighed @ Pw + Pb                    # project: Linear(D*num_heads=D, D)
    return out

if __name__ == "__main__":
    import jax
    _d = setup_inputs()
    print(jax.jit(kernel)(*tuple(_d.values())))

</pallas_src>

<mosaic_0001>
#map = affine_map<(d0, d1) -> (0)>
#map1 = affine_map<(d0, d1) -> (0, 0)>
#map2 = affine_map<(d0, d1) -> (0, 0, 0)>
module attributes {stable_mosaic.version = 14 : i64} {
  func.func @_sc_prep_body(%arg0: i32, %arg1: i32, %arg2: memref<2048xi32, #tpu.memory_space<hbm>>, %arg3: memref<2048xi32, #tpu.memory_space<hbm>>, %arg4: memref<2048xf32, #tpu.memory_space<hbm>>, %arg5: memref<2048xf32, #tpu.memory_space<hbm>>, %arg6: memref<512x128xf32, #tpu.memory_space<hbm>>, %arg7: memref<128xf32, #tpu.memory_space<hbm>>, %arg8: memref<32x1x128xi32, #tpu.memory_space<hbm>>, %arg9: memref<4096x128xf32, #tpu.memory_space<hbm>>, %arg10: memref<8192xf32, #tpu.memory_space<vmem>>, %arg11: memref<2048xi32, #tpu.memory_space<vmem>>, %arg12: memref<2048xi32, #tpu.memory_space<vmem>>, %arg13: memref<2048xf32, #tpu.memory_space<vmem>>, %arg14: memref<2048xf32, #tpu.memory_space<vmem>>, %arg15: memref<128xf32, #tpu.memory_space<vmem>>, %arg16: memref<160xi32, #tpu.memory_space<vmem>>, %arg17: memref<1x128xi32, #tpu.memory_space<vmem>>, %arg18: memref<128xi32, #tpu.memory_space<vmem>>, %arg19: memref<128xf32, #tpu.memory_space<vmem>>, %arg20: memref<128x128xf32, #tpu.memory_space<vmem>>, %arg21: memref<128x128xf32, #tpu.memory_space<vmem>>, %arg22: memref<!tpu.dma_semaphore, #tpu.memory_space<semaphore_mem>>) attributes {dimension_semantics = [#tpu.dimension_semantics<core_parallel>, #tpu.dimension_semantics<subcore_parallel>], iteration_bounds = array<i64: 2, 16>, scalar_prefetch = 0 : i64, scratch_operands = 13 : i64, tpu.core_type = #tpu.core_type<sc_vector_subcore>, window_params = [{transform_indices = #map}, {transform_indices = #map}, {transform_indices = #map}, {transform_indices = #map}, {transform_indices = #map1}, {transform_indices = #map}, {transform_indices = #map2}, {transform_indices = #map1}]} {
    %mul3A = arith.constant 2 : i32
    %mul3A_0 = arith.muli %arg1, %mul3A : i32
    %add3A = arith.addi %mul3A_0, %arg0 : i32
    %mul3A_1 = arith.constant 16 : i32
    %mul3A_2 = arith.muli %add3A, %mul3A_1 : i32
    tpu.enqueue_dma source(%arg2 : memref<2048xi32, #tpu.memory_space<hbm>>) target(%arg11 : memref<2048xi32, #tpu.memory_space<vmem>>) target_semaphore(%arg22 : memref<!tpu.dma_semaphore, #tpu.memory_space<semaphore_mem>>)
    tpu.enqueue_dma source(%arg3 : memref<2048xi32, #tpu.memory_space<hbm>>) target(%arg12 : memref<2048xi32, #tpu.memory_space<vmem>>) target_semaphore(%arg22 : memref<!tpu.dma_semaphore, #tpu.memory_space<semaphore_mem>>)
    tpu.enqueue_dma source(%arg4 : memref<2048xf32, #tpu.memory_space<hbm>>) target(%arg13 : memref<2048xf32, #tpu.memory_space<vmem>>) target_semaphore(%arg22 : memref<!tpu.dma_semaphore, #tpu.memory_space<semaphore_mem>>)
    tpu.enqueue_dma source(%arg5 : memref<2048xf32, #tpu.memory_space<hbm>>) target(%arg14 : memref<2048xf32, #tpu.memory_space<vmem>>) target_semaphore(%arg22 : memref<!tpu.dma_semaphore, #tpu.memory_space<semaphore_mem>>)
    tpu.enqueue_dma source(%arg7 : memref<128xf32, #tpu.memory_space<hbm>>) target(%arg15 : memref<128xf32, #tpu.memory_space<vmem>>) target_semaphore(%arg22 : memref<!tpu.dma_semaphore, #tpu.memory_space<semaphore_mem>>)
    tpu.wait_dma2 semaphore(%arg22 : memref<!tpu.dma_semaphore, #tpu.memory_space<semaphore_mem>>) src(%arg2 : memref<2048xi32, #tpu.memory_space<hbm>>) dst(%arg11 : memref<2048xi32, #tpu.memory_space<vmem>>)
    tpu.wait_dma2 semaphore(%arg22 : memref<!tpu.dma_semaphore, #tpu.memory_space<semaphore_mem>>) src(%arg3 : memref<2048xi32, #tpu.memory_space<hbm>>) dst(%arg12 : memref<2048xi32, #tpu.memory_space<vmem>>)
    tpu.wait_dma2 semaphore(%arg22 : memref<!tpu.dma_semaphore, #tpu.memory_space<semaphore_mem>>) src(%arg4 : memref<2048xf32, #tpu.memory_space<hbm>>) dst(%arg13 : memref<2048xf32, #tpu.memory_space<vmem>>)
    tpu.wait_dma2 semaphore(%arg22 : memref<!tpu.dma_semaphore, #tpu.memory_space<semaphore_mem>>) src(%arg5 : memref<2048xf32, #tpu.memory_space<hbm>>) dst(%arg14 : memref<2048xf32, #tpu.memory_space<vmem>>)
    tpu.wait_dma2 semaphore(%arg22 : memref<!tpu.dma_semaphore, #tpu.memory_space<semaphore_mem>>) src(%arg7 : memref<128xf32, #tpu.memory_space<hbm>>) dst(%arg15 : memref<128xf32, #tpu.memory_space<vmem>>)
    %broadcast_in_dim3A = arith.constant 0xFF800000 : f32
    %broadcast_in_dim3A_3 = vector.broadcast %broadcast_in_dim3A : f32 to vector<16xf32>
    %broadcast_in_dim3A_4 = arith.constant 0 : i32
    %broadcast_in_dim3A_5 = vector.broadcast %broadcast_in_dim3A_4 : i32 to vector<16xi32>
    %parallel_loop3A = arith.constant 0 : i32
    %parallel_loop3A_6 = arith.constant 8192 : i32
    %parallel_loop3A_7 = arith.constant 16 : i32
    scf.for %parallel_loop3A_40 = %parallel_loop3A to %parallel_loop3A_6 step %parallel_loop3A_7  : i32 {
      %parallel_loop3A_41 = arith.index_cast %parallel_loop3A_40 : i32 to index
      %parallel_loop3A_42 = tpu.vector_load %arg10[%parallel_loop3A_41] {strides = array<i32>} : memref<8192xf32, #tpu.memory_space<vmem>>, vector<16xf32>,
      tpu.vector_store %arg10[%parallel_loop3A_41], %broadcast_in_dim3A_3 {strides = array<i32>} : memref<8192xf32, #tpu.memory_space<vmem>>, vector<16xf32>,
    } {sc.loop_unroll_factor = 8 : i64, sc.parallel_access}
    %parallel_loop3A_8 = arith.constant 0 : i32
    %parallel_loop3A_9 = arith.constant 160 : i32
    %parallel_loop3A_10 = arith.constant 16 : i32
    scf.for %parallel_loop3A_40 = %parallel_loop3A_8 to %parallel_loop3A_9 step %parallel_loop3A_10  : i32 {
      %parallel_loop3A_41 = arith.index_cast %parallel_loop3A_40 : i32 to index
      %parallel_loop3A_42 = tpu.vector_load %arg16[%parallel_loop3A_41] {strides = array<i32>} : memref<160xi32, #tpu.memory_space<vmem>>, vector<16xi32>,
      tpu.vector_store %arg16[%parallel_loop3A_41], %broadcast_in_dim3A_5 {strides = array<i32>} : memref<160xi32, #tpu.memory_space<vmem>>, vector<16xi32>,
    } {sc.loop_unroll_factor = 1 : i64, sc.parallel_access}
    %scan3A = arith.constant 0 : i32
    %scan3A_11 = arith.constant 0 : i32
    %scan3A_12 = arith.constant 128 : i32
    %scan3A_13 = arith.addi %scan3A_11, %scan3A_12 : i32
    %scan3A_14 = arith.constant 2 : i32
    %scan3A_15 = scf.for %scan3A_40 = %scan3A_11 to %scan3A_13 step %scan3A_14 iter_args(%scan3A_41 = %scan3A) -> (i32)  : i32 {
      %mul3A_42 = arith.constant 16 : i32
      %mul3A_43 = arith.muli %scan3A_40, %mul3A_42 : i32
      %add3A_44 = arith.constant 0 : i32
      %add3A_45 = arith.addi %add3A_44, %mul3A_43 : i32
      %get3A = arith.index_cast %add3A_45 : i32 to index
      %get3A_46 = tpu.vector_load %arg11[%get3A] {strides = array<i32>} : memref<2048xi32, #tpu.memory_space<vmem>>, vector<16xi32>,
      %get3A_47 = arith.index_cast %add3A_45 : i32 to index
      %get3A_48 = tpu.vector_load %arg12[%get3A_47] {strides = array<i32>} : memref<2048xi32, #tpu.memory_space<vmem>>, vector<16xi32>,
      %get3A_49 = arith.index_cast %add3A_45 : i32 to index
      %get3A_50 = tpu.vector_load %arg13[%get3A_49] {strides = array<i32>} : memref<2048xf32, #tpu.memory_space<vmem>>, vector<16xf32>,
      %sub3A = vector.broadcast %mul3A_2 : i32 to vector<16xi32>
      %sub3A_51 = arith.subi %get3A_46, %sub3A : vector<16xi32>
      %ge3A = arith.constant 0 : i32
      %ge3A_52 = vector.broadcast %ge3A : i32 to vector<16xi32>
      %ge3A_53 = arith.cmpi sge, %sub3A_51, %ge3A_52 : vector<16xi32>
      %lt3A = arith.constant 16 : i32
      %lt3A_54 = vector.broadcast %lt3A : i32 to vector<16xi32>
      %lt3A_55 = arith.cmpi slt, %sub3A_51, %lt3A_54 : vector<16xi32>
      %and3A = arith.andi %ge3A_53, %lt3A_55 : vector<16xi1>
      %mul3A_56 = arith.constant 512 : i32
      %mul3A_57 = vector.broadcast %mul3A_56 : i32 to vector<16xi32>
      %mul3A_58 = arith.muli %sub3A_51, %mul3A_57 : vector<16xi32>
      %add3A_59 = arith.addi %mul3A_58, %get3A_48 : vector<16xi32>
      %jit3A = arith.constant 0 : i32
      %broadcast_in_dim3A_60 = vector.broadcast %jit3A : i32 to vector<16xi32>
      %select_n3A = arith.select %and3A, %add3A_59, %broadcast_in_dim3A_60 : vector<16xi1>, vector<16xi32>
      tpu.vector_store_idx %arg10[%select_n3A], %get3A_50 masked %and3A : memref<8192xf32, #tpu.memory_space<vmem>>[vector<16xi32>], vector<16xf32>, vector<16xi1>
      %swap3A = arith.index_cast %scan3A_41 : i32 to index
      %swap3A_61 = tpu.vector_load %arg16[%swap3A] masked %and3A {strides = array<i32>} : memref<160xi32, #tpu.memory_space<vmem>>, vector<16xi32>, vector<16xi1>
      tpu.vector_store %arg16[%swap3A], %select_n3A masked %and3A {strides = array<i32>} : memref<160xi32, #tpu.memory_space<vmem>>, vector<16xi32>, vector<16xi1>
      %all_reduce_population_count3A = tpu.all_reduce %and3A {dim = 0 : i64, kind = #tpu.reduction_kind<sum>} : vector<16xi1> -> vector<16xi32>
      %slice3A = vector.extract_strided_slice %all_reduce_population_count3A {offsets = [0], sizes = [1], strides = [1]} : vector<16xi32> to vector<1xi32>
      %squeeze3A = vector.extract %slice3A[0] : i32 from vector<1xi32>
      %add3A_62 = arith.addi %scan3A_41, %squeeze3A : i32
      %scan3A_63 = arith.constant 1 : i32
      %scan3A_64 = arith.addi %scan3A_40, %scan3A_63 : i32
      %mul3A_65 = arith.constant 16 : i32
      %mul3A_66 = arith.muli %scan3A_64, %mul3A_65 : i32
      %add3A_67 = arith.constant 0 : i32
      %add3A_68 = arith.addi %add3A_67, %mul3A_66 : i32
      %get3A_69 = arith.index_cast %add3A_68 : i32 to index
      %get3A_70 = tpu.vector_load %arg11[%get3A_69] {strides = array<i32>} : memref<2048xi32, #tpu.memory_space<vmem>>, vector<16xi32>,
      %get3A_71 = arith.index_cast %add3A_68 : i32 to index
      %get3A_72 = tpu.vector_load %arg12[%get3A_71] {strides = array<i32>} : memref<2048xi32, #tpu.memory_space<vmem>>, vector<16xi32>,
      %get3A_73 = arith.index_cast %add3A_68 : i32 to index
      %get3A_74 = tpu.vector_load %arg13[%get3A_73] {strides = array<i32>} : memref<2048xf32, #tpu.memory_space<vmem>>, vector<16xf32>,
      %sub3A_75 = vector.broadcast %mul3A_2 : i32 to vector<16xi32>
      %sub3A_76 = arith.subi %get3A_70, %sub3A_75 : vector<16xi32>
      %ge3A_77 = arith.constant 0 : i32
      %ge3A_78 = vector.broadcast %ge3A_77 : i32 to vector<16xi32>
      %ge3A_79 = arith.cmpi sge, %sub3A_76, %ge3A_78 : vector<16xi32>
      %lt3A_80 = arith.constant 16 : i32
      %lt3A_81 = vector.broadcast %lt3A_80 : i32 to vector<16xi32>
      %lt3A_82 = arith.cmpi slt, %sub3A_76, %lt3A_81 : vector<16xi32>
      %and3A_83 = arith.andi %ge3A_79, %lt3A_82 : vector<16xi1>
      %mul3A_84 = arith.constant 512 : i32
      %mul3A_85 = vector.broadcast %mul3A_84 : i32 to vector<16xi32>
      %mul3A_86 = arith.muli %sub3A_76, %mul3A_85 : vector<16xi32>
      %add3A_87 = arith.addi %mul3A_86, %get3A_72 : vector<16xi32>
      %jit3A_88 = arith.constant 0 : i32
      %broadcast_in_dim3A_89 = vector.broadcast %jit3A_88 : i32 to vector<16xi32>
      %select_n3A_90 = arith.select %and3A_83, %add3A_87, %broadcast_in_dim3A_89 : vector<16xi1>, vector<16xi32>
      tpu.vector_store_idx %arg10[%select_n3A_90], %get3A_74 masked %and3A_83 : memref<8192xf32, #tpu.memory_space<vmem>>[vector<16xi32>], vector<16xf32>, vector<16xi1>
      %swap3A_91 = arith.index_cast %add3A_62 : i32 to index
      %swap3A_92 = tpu.vector_load %arg16[%swap3A_91] masked %and3A_83 {strides = array<i32>} : memref<160xi32, #tpu.memory_space<vmem>>, vector<16xi32>, vector<16xi1>
      tpu.vector_store %arg16[%swap3A_91], %select_n3A_90 masked %and3A_83 {strides = array<i32>} : memref<160xi32, #tpu.memory_space<vmem>>, vector<16xi32>, vector<16xi1>
      %all_reduce_population_count3A_93 = tpu.all_reduce %and3A_83 {dim = 0 : i64, kind = #tpu.reduction_kind<sum>} : vector<16xi1> -> vector<16xi32>
      %slice3A_94 = vector.extract_strided_slice %all_reduce_population_count3A_93 {offsets = [0], sizes = [1], strides = [1]} : vector<16xi32> to vector<1xi32>
      %squeeze3A_95 = vector.extract %slice3A_94[0] : i32 from vector<1xi32>
      %add3A_96 = arith.addi %add3A_62, %squeeze3A_95 : i32
      scf.yield %add3A_96 : i32
    }
    %scan3A_16 = arith.constant 128 : i32
    %scan3A_17 = arith.constant 0 : i32
    %scan3A_18 = arith.constant 128 : i32
    %scan3A_19 = arith.addi %scan3A_17, %scan3A_18 : i32
    %scan3A_20 = arith.constant 2 : i32
    %scan3A_21 = scf.for %scan3A_40 = %scan3A_17 to %scan3A_19 step %scan3A_20 iter_args(%scan3A_41 = %scan3A_15) -> (i32)  : i32 {
      %mul3A_42 = arith.constant 16 : i32
      %mul3A_43 = arith.muli %scan3A_40, %mul3A_42 : i32
      %add3A_44 = arith.constant 0 : i32
      %add3A_45 = arith.addi %add3A_44, %mul3A_43 : i32
      %get3A = arith.index_cast %add3A_45 : i32 to index
      %get3A_46 = tpu.vector_load %arg12[%get3A] {strides = array<i32>} : memref<2048xi32, #tpu.memory_space<vmem>>, vector<16xi32>,
      %get3A_47 = arith.index_cast %add3A_45 : i32 to index
      %get3A_48 = tpu.vector_load %arg11[%get3A_47] {strides = array<i32>} : memref<2048xi32, #tpu.memory_space<vmem>>, vector<16xi32>,
      %get3A_49 = arith.index_cast %add3A_45 : i32 to index
      %get3A_50 = tpu.vector_load %arg14[%get3A_49] {strides = array<i32>} : memref<2048xf32, #tpu.memory_space<vmem>>, vector<16xf32>,
      %sub3A = vector.broadcast %mul3A_2 : i32 to vector<16xi32>
      %sub3A_51 = arith.subi %get3A_46, %sub3A : vector<16xi32>
      %ge3A = arith.constant 0 : i32
      %ge3A_52 = vector.broadcast %ge3A : i32 to vector<16xi32>
      %ge3A_53 = arith.cmpi sge, %sub3A_51, %ge3A_52 : vector<16xi32>
      %lt3A = arith.constant 16 : i32
      %lt3A_54 = vector.broadcast %lt3A : i32 to vector<16xi32>
      %lt3A_55 = arith.cmpi slt, %sub3A_51, %lt3A_54 : vector<16xi32>
      %and3A = arith.andi %ge3A_53, %lt3A_55 : vector<16xi1>
      %mul3A_56 = arith.constant 512 : i32
      %mul3A_57 = vector.broadcast %mul3A_56 : i32 to vector<16xi32>
      %mul3A_58 = arith.muli %sub3A_51, %mul3A_57 : vector<16xi32>
      %add3A_59 = arith.addi %mul3A_58, %get3A_48 : vector<16xi32>
      %jit3A = arith.constant 0 : i32
      %broadcast_in_dim3A_60 = vector.broadcast %jit3A : i32 to vector<16xi32>
      %select_n3A = arith.select %and3A, %add3A_59, %broadcast_in_dim3A_60 : vector<16xi1>, vector<16xi32>
      tpu.vector_store_idx %arg10[%select_n3A], %get3A_50 masked %and3A : memref<8192xf32, #tpu.memory_space<vmem>>[vector<16xi32>], vector<16xf32>, vector<16xi1>
      %swap3A = arith.index_cast %scan3A_41 : i32 to index
      %swap3A_61 = tpu.vector_load %arg16[%swap3A] masked %and3A {strides = array<i32>} : memref<160xi32, #tpu.memory_space<vmem>>, vector<16xi32>, vector<16xi1>
      tpu.vector_store %arg16[%swap3A], %select_n3A masked %and3A {strides = array<i32>} : memref<160xi32, #tpu.memory_space<vmem>>, vector<16xi32>, vector<16xi1>
      %all_reduce_population_count3A = tpu.all_reduce %and3A {dim = 0 : i64, kind = #tpu.reduction_kind<sum>} : vector<16xi1> -> vector<16xi32>
      %slice3A = vector.extract_strided_slice %all_reduce_population_count3A {offsets = [0], sizes = [1], strides = [1]} : vector<16xi32> to vector<1xi32>
      %squeeze3A = vector.extract %slice3A[0] : i32 from vector<1xi32>
      %add3A_62 = arith.addi %scan3A_41, %squeeze3A : i32
      %scan3A_63 = arith.constant 1 : i32
      %scan3A_64 = arith.addi %scan3A_40, %scan3A_63 : i32
      %mul3A_65 = arith.constant 16 : i32
      %mul3A_66 = arith.muli %scan3A_64, %mul3A_65 : i32
      %add3A_67 = arith.constant 0 : i32
      %add3A_68 = arith.addi %add3A_67, %mul3A_66 : i32
      %get3A_69 = arith.index_cast %add3A_68 : i32 to index
      %get3A_70 = tpu.vector_load %arg12[%get3A_69] {strides = array<i32>} : memref<2048xi32, #tpu.memory_space<vmem>>, vector<16xi32>,
      %get3A_71 = arith.index_cast %add3A_68 : i32 to index
      %get3A_72 = tpu.vector_load %arg11[%get3A_71] {strides = array<i32>} : memref<2048xi32, #tpu.memory_space<vmem>>, vector<16xi32>,
      %get3A_73 = arith.index_cast %add3A_68 : i32 to index
      %get3A_74 = tpu.vector_load %arg14[%get3A_73] {strides = array<i32>} : memref<2048xf32, #tpu.memory_space<vmem>>, vector<16xf32>,
      %sub3A_75 = vector.broadcast %mul3A_2 : i32 to vector<16xi32>
      %sub3A_76 = arith.subi %get3A_70, %sub3A_75 : vector<16xi32>
      %ge3A_77 = arith.constant 0 : i32
      %ge3A_78 = vector.broadcast %ge3A_77 : i32 to vector<16xi32>
      %ge3A_79 = arith.cmpi sge, %sub3A_76, %ge3A_78 : vector<16xi32>
      %lt3A_80 = arith.constant 16 : i32
      %lt3A_81 = vector.broadcast %lt3A_80 : i32 to vector<16xi32>
      %lt3A_82 = arith.cmpi slt, %sub3A_76, %lt3A_81 : vector<16xi32>
      %and3A_83 = arith.andi %ge3A_79, %lt3A_82 : vector<16xi1>
      %mul3A_84 = arith.constant 512 : i32
      %mul3A_85 = vector.broadcast %mul3A_84 : i32 to vector<16xi32>
      %mul3A_86 = arith.muli %sub3A_76, %mul3A_85 : vector<16xi32>
      %add3A_87 = arith.addi %mul3A_86, %get3A_72 : vector<16xi32>
      %jit3A_88 = arith.constant 0 : i32
      %broadcast_in_dim3A_89 = vector.broadcast %jit3A_88 : i32 to vector<16xi32>
      %select_n3A_90 = arith.select %and3A_83, %add3A_87, %broadcast_in_dim3A_89 : vector<16xi1>, vector<16xi32>
      tpu.vector_store_idx %arg10[%select_n3A_90], %get3A_74 masked %and3A_83 : memref<8192xf32, #tpu.memory_space<vmem>>[vector<16xi32>], vector<16xf32>, vector<16xi1>
      %swap3A_91 = arith.index_cast %add3A_62 : i32 to index
      %swap3A_92 = tpu.vector_load %arg16[%swap3A_91] masked %and3A_83 {strides = array<i32>} : memref<160xi32, #tpu.memory_space<vmem>>, vector<16xi32>, vector<16xi1>
      tpu.vector_store %arg16[%swap3A_91], %select_n3A_90 masked %and3A_83 {strides = array<i32>} : memref<160xi32, #tpu.memory_space<vmem>>, vector<16xi32>, vector<16xi1>
      %all_reduce_population_count3A_93 = tpu.all_reduce %and3A_83 {dim = 0 : i64, kind = #tpu.reduction_kind<sum>} : vector<16xi1> -> vector<16xi32>
      %slice3A_94 = vector.extract_strided_slice %all_reduce_population_count3A_93 {offsets = [0], sizes = [1], strides = [1]} : vector<16xi32> to vector<1xi32>
      %squeeze3A_95 = vector.extract %slice3A_94[0] : i32 from vector<1xi32>
      %add3A_96 = arith.addi %add3A_62, %squeeze3A_95 : i32
      scf.yield %add3A_96 : i32
    }
    %scan3A_22 = arith.constant 128 : i32
    %scan3A_23 = arith.constant 0 : i32
    %scan3A_24 = arith.constant 16 : i32
    %scan3A_25 = arith.addi %scan3A_23, %scan3A_24 : i32
    %scan3A_26 = arith.constant 1 : i32
    scf.for %scan3A_40 = %scan3A_23 to %scan3A_25 step %scan3A_26  : i32 {
      %mul3A_41 = arith.constant 1 : i32
      %mul3A_42 = arith.muli %scan3A_40, %mul3A_41 : i32
      %add3A_43 = arith.constant 0 : i32
      %add3A_44 = arith.addi %add3A_43, %mul3A_42 : i32
      %mul3A_45 = arith.constant 512 : i32
      %mul3A_46 = arith.muli %add3A_44, %mul3A_45 : i32
      %parallel_loop3A_47 = arith.constant 0 : i32
      %parallel_loop3A_48 = arith.constant 512 : i32
      %parallel_loop3A_49 = arith.constant 16 : i32
      %parallel_loop3A_50 = scf.for %parallel_loop3A_70 = %parallel_loop3A_47 to %parallel_loop3A_48 step %parallel_loop3A_49 iter_args(%parallel_loop3A_71 = %broadcast_in_dim3A_3) -> (vector<16xf32>)  : i32 {
        %parallel_loop3A_72 = arith.addi %mul3A_46, %parallel_loop3A_70 : i32
        %parallel_loop3A_73 = arith.index_cast %parallel_loop3A_72 : i32 to index
        %parallel_loop3A_74 = tpu.vector_load %arg10[%parallel_loop3A_73] {strides = array<i32>} : memref<8192xf32, #tpu.memory_space<vmem>>, vector<16xf32>,
        %parallel_loop3A_75 = arith.maximumf %parallel_loop3A_71, %parallel_loop3A_74 : vector<16xf32>
        scf.yield %parallel_loop3A_75 : vector<16xf32>
      } {sc.loop_unroll_factor = 8 : i64, sc.parallel_access}
      %reduce_max3A = arith.constant true
      %reduce_max3A_51 = vector.broadcast %reduce_max3A : i1 to vector<16xi1>
      %reduce_max3A_52 = tpu.scan <max>, %parallel_loop3A_50 masked %reduce_max3A_51 : vector<16xf32>, vector<16xi1> -> vector<16xf32>
      %reduce_max3A_53 = vector.extract %reduce_max3A_52[15] : f32 from vector<16xf32>
      %broadcast_in_dim3A_54 = vector.broadcast %reduce_max3A_53 : f32 to vector<16xf32>
      %broadcast_in_dim3A_55 = arith.constant 0.000000e+00 : f32
      %broadcast_in_dim3A_56 = vector.broadcast %broadcast_in_dim3A_55 : f32 to vector<16xf32>
      %parallel_loop3A_57 = arith.constant 0 : i32
      %parallel_loop3A_58 = arith.constant 512 : i32
      %parallel_loop3A_59 = arith.constant 16 : i32
      %parallel_loop3A_60 = scf.for %parallel_loop3A_70 = %parallel_loop3A_57 to %parallel_loop3A_58 step %parallel_loop3A_59 iter_args(%parallel_loop3A_71 = %broadcast_in_dim3A_56) -> (vector<16xf32>)  : i32 {
        %parallel_loop3A_72 = arith.addi %mul3A_46, %parallel_loop3A_70 : i32
        %parallel_loop3A_73 = arith.index_cast %parallel_loop3A_72 : i32 to index
        %parallel_loop3A_74 = tpu.vector_load %arg10[%parallel_loop3A_73] {strides = array<i32>} : memref<8192xf32, #tpu.memory_space<vmem>>, vector<16xf32>,
        %parallel_loop3A_75 = arith.subf %parallel_loop3A_74, %broadcast_in_dim3A_54 : vector<16xf32>
        %parallel_loop3A_76 = math.exp %parallel_loop3A_75 : vector<16xf32>
        %parallel_loop3A_77 = arith.addi %mul3A_46, %parallel_loop3A_70 : i32
        %parallel_loop3A_78 = arith.index_cast %parallel_loop3A_77 : i32 to index
        %parallel_loop3A_79 = tpu.vector_load %arg10[%parallel_loop3A_78] {strides = array<i32>} : memref<8192xf32, #tpu.memory_space<vmem>>, vector<16xf32>,
        tpu.vector_store %arg10[%parallel_loop3A_78], %parallel_loop3A_76 {strides = array<i32>} : memref<8192xf32, #tpu.memory_space<vmem>>, vector<16xf32>,
        %parallel_loop3A_80 = arith.addf %parallel_loop3A_71, %parallel_loop3A_76 : vector<16xf32>
        scf.yield %parallel_loop3A_80 : vector<16xf32>
      } {sc.loop_unroll_factor = 8 : i64, sc.parallel_access}
      %broadcast_in_dim3A_61 = arith.constant 1.000000e+00 : f32
      %broadcast_in_dim3A_62 = vector.broadcast %broadcast_in_dim3A_61 : f32 to vector<16xf32>
      %reduce_sum3A = arith.constant true
      %reduce_sum3A_63 = vector.broadcast %reduce_sum3A : i1 to vector<16xi1>
      %reduce_sum3A_64 = tpu.scan <sum>, %parallel_loop3A_60 masked %reduce_sum3A_63 : vector<16xf32>, vector<16xi1> -> vector<16xf32>
      %reduce_sum3A_65 = vector.extract %reduce_sum3A_64[15] : f32 from vector<16xf32>
      %broadcast_in_dim3A_66 = vector.broadcast %reduce_sum3A_65 : f32 to vector<16xf32>
      %div3A = arith.divf %broadcast_in_dim3A_62, %broadcast_in_dim3A_66 : vector<16xf32>
      %parallel_loop3A_67 = arith.constant 0 : i32
      %parallel_loop3A_68 = arith.constant 512 : i32
      %parallel_loop3A_69 = arith.constant 16 : i32
      scf.for %parallel_loop3A_70 = %parallel_loop3A_67 to %parallel_loop3A_68 step %parallel_loop3A_69  : i32 {
        %parallel_loop3A_71 = arith.addi %mul3A_46, %parallel_loop3A_70 : i32
        %parallel_loop3A_72 = arith.index_cast %parallel_loop3A_71 : i32 to index
        %parallel_loop3A_73 = tpu.vector_load %arg10[%parallel_loop3A_72] {strides = array<i32>} : memref<8192xf32, #tpu.memory_space<vmem>>, vector<16xf32>,
        %parallel_loop3A_74 = arith.mulf %parallel_loop3A_73, %div3A : vector<16xf32>
        %parallel_loop3A_75 = arith.addi %mul3A_46, %parallel_loop3A_70 : i32
        %parallel_loop3A_76 = arith.index_cast %parallel_loop3A_75 : i32 to index
        %parallel_loop3A_77 = tpu.vector_load %arg10[%parallel_loop3A_76] {strides = array<i32>} : memref<8192xf32, #tpu.memory_space<vmem>>, vector<16xf32>,
        tpu.vector_store %arg10[%parallel_loop3A_76], %parallel_loop3A_74 {strides = array<i32>} : memref<8192xf32, #tpu.memory_space<vmem>>, vector<16xf32>,
      } {sc.loop_unroll_factor = 8 : i64, sc.parallel_access}
    }
    %scan3A_27 = arith.constant 16 : i32
    %parallel_loop3A_28 = arith.constant 0 : i32
    %parallel_loop3A_29 = arith.constant 128 : i32
    %parallel_loop3A_30 = arith.constant 16 : i32
    scf.for %parallel_loop3A_40 = %parallel_loop3A_28 to %parallel_loop3A_29 step %parallel_loop3A_30  : i32 {
      %parallel_loop3A_41 = arith.index_cast %parallel_loop3A_40 : i32 to index
      %parallel_loop3A_42 = tpu.vector_load %arg16[%parallel_loop3A_41] {strides = array<i32>} : memref<160xi32, #tpu.memory_space<vmem>>, vector<16xi32>,
      %parallel_loop3A_43 = arith.constant 511 : i32
      %parallel_loop3A_44 = vector.broadcast %parallel_loop3A_43 : i32 to vector<16xi32>
      %parallel_loop3A_45 = arith.andi %parallel_loop3A_42, %parallel_loop3A_44 : vector<16xi32>
      %parallel_loop3A_46 = arith.index_cast %parallel_loop3A_40 : i32 to index
      %parallel_loop3A_47 = tpu.vector_load %arg18[%parallel_loop3A_46] {strides = array<i32>} : memref<128xi32, #tpu.memory_space<vmem>>, vector<16xi32>,
      tpu.vector_store %arg18[%parallel_loop3A_46], %parallel_loop3A_45 {strides = array<i32>} : memref<128xi32, #tpu.memory_space<vmem>>, vector<16xi32>,
      %parallel_loop3A_48 = arith.constant 512 : i32
      %parallel_loop3A_49 = arith.muli %mul3A_2, %parallel_loop3A_48 : i32
      %parallel_loop3A_50 = vector.broadcast %parallel_loop3A_49 : i32 to vector<16xi32>
      %parallel_loop3A_51 = arith.addi %parallel_loop3A_42, %parallel_loop3A_50 : vector<16xi32>
      %parallel_loop3A_52 = arith.constant 0 : i32
      %parallel_loop3A_53 = arith.index_cast %parallel_loop3A_52 : i32 to index
      %parallel_loop3A_54 = arith.index_cast %parallel_loop3A_40 : i32 to index
      %parallel_loop3A_55 = tpu.vector_load %arg17[%parallel_loop3A_53, %parallel_loop3A_54] {strides = array<i32>} : memref<1x128xi32, #tpu.memory_space<vmem>>, vector<16xi32>,
      tpu.vector_store %arg17[%parallel_loop3A_53, %parallel_loop3A_54], %parallel_loop3A_51 {strides = array<i32>} : memref<1x128xi32, #tpu.memory_space<vmem>>, vector<16xi32>,
      %parallel_loop3A_56 = tpu.vector_load_idx %arg10[%parallel_loop3A_42] : memref<8192xf32, #tpu.memory_space<vmem>>[vector<16xi32>], vector<16xf32>,
      %parallel_loop3A_57 = arith.index_cast %parallel_loop3A_40 : i32 to index
      %parallel_loop3A_58 = tpu.vector_load %arg19[%parallel_loop3A_57] {strides = array<i32>} : memref<128xf32, #tpu.memory_space<vmem>>, vector<16xf32>,
      tpu.vector_store %arg19[%parallel_loop3A_57], %parallel_loop3A_56 {strides = array<i32>} : memref<128xf32, #tpu.memory_space<vmem>>, vector<16xf32>,
    } {sc.loop_unroll_factor = 1 : i64, sc.parallel_access}
    %dma_start3A = arith.constant 0 : i32
    %dma_start3A_31 = arith.constant 0 : i32
    %dma_start3A_32 = tpu.memref_slice %arg6[%dma_start3A, %dma_start3A_31] : memref<512x128xf32, #tpu.memory_space<hbm>> -> memref<512x128xf32, #tpu.memory_space<hbm>>
    tpu.enqueue_indirect_dma source(%dma_start3A_32 : memref<512x128xf32, #tpu.memory_space<hbm>>) target(%arg20 : memref<128x128xf32, #tpu.memory_space<vmem>>) offsets(%arg18 : memref<128xi32, #tpu.memory_space<vmem>>) semaphore(%arg22 : memref<!tpu.dma_semaphore, #tpu.memory_space<semaphore_mem>>)
    %dma_wait3A = arith.constant 0 : i32
    %dma_wait3A_33 = arith.constant 0 : i32
    %dma_wait3A_34 = tpu.memref_slice %arg6[%dma_wait3A, %dma_wait3A_33] : memref<512x128xf32, #tpu.memory_space<hbm>> -> memref<512x128xf32, #tpu.memory_space<hbm>>
    tpu.wait_indirect_dma semaphore(%arg22 : memref<!tpu.dma_semaphore, #tpu.memory_space<semaphore_mem>>) src(%dma_wait3A_34 : memref<512x128xf32, #tpu.memory_space<hbm>>) dst(%arg20 : memref<128x128xf32, #tpu.memory_space<vmem>>)
    %parallel_loop3A_35 = arith.constant 0 : i32
    %parallel_loop3A_36 = arith.constant 128 : i32
    %parallel_loop3A_37 = arith.constant 1 : i32
    scf.for %parallel_loop3A_40 = %parallel_loop3A_35 to %parallel_loop3A_36 step %parallel_loop3A_37  : i32 {
      %parallel_loop3A_41 = vector.broadcast %parallel_loop3A_40 : i32 to vector<16xi32>
      %parallel_loop3A_42 = tpu.vector_load_idx %arg19[%parallel_loop3A_41] : memref<128xf32, #tpu.memory_space<vmem>>[vector<16xi32>], vector<16xf32>,
      %parallel_loop3A_43 = arith.index_cast %parallel_loop3A_40 : i32 to index
      %parallel_loop3A_44 = arith.constant 0 : index
      %parallel_loop3A_45 = tpu.vector_load %arg20[%parallel_loop3A_43, %parallel_loop3A_44] {strides = array<i32>} : memref<128x128xf32, #tpu.memory_space<vmem>>, vector<16xf32>,
      %parallel_loop3A_46 = arith.mulf %parallel_loop3A_42, %parallel_loop3A_45 : vector<16xf32>
      %parallel_loop3A_47 = arith.constant 0 : index
      %parallel_loop3A_48 = tpu.vector_load %arg15[%parallel_loop3A_47] {strides = array<i32>} : memref<128xf32, #tpu.memory_space<vmem>>, vector<16xf32>,
      %parallel_loop3A_49 = arith.addf %parallel_loop3A_46, %parallel_loop3A_48 : vector<16xf32>
      %parallel_loop3A_50 = arith.index_cast %parallel_loop3A_40 : i32 to index
      %parallel_loop3A_51 = arith.constant 0 : index
      %parallel_loop3A_52 = tpu.vector_load %arg21[%parallel_loop3A_50, %parallel_loop3A_51] {strides = array<i32>} : memref<128x128xf32, #tpu.memory_space<vmem>>, vector<16xf32>,
      tpu.vector_store %arg21[%parallel_loop3A_50, %parallel_loop3A_51], %parallel_loop3A_49 {strides = array<i32>} : memref<128x128xf32, #tpu.memory_space<vmem>>, vector<16xf32>,
      %parallel_loop3A_53 = arith.index_cast %parallel_loop3A_40 : i32 to index
      %parallel_loop3A_54 = arith.constant 16 : index
      %parallel_loop3A_55 = tpu.vector_load %arg20[%parallel_loop3A_53, %parallel_loop3A_54] {strides = array<i32>} : memref<128x128xf32, #tpu.memory_space<vmem>>, vector<16xf32>,
      %parallel_loop3A_56 = arith.mulf %parallel_loop3A_42, %parallel_loop3A_55 : vector<16xf32>
      %parallel_loop3A_57 = arith.constant 16 : index
      %parallel_loop3A_58 = tpu.vector_load %arg15[%parallel_loop3A_57] {strides = array<i32>} : memref<128xf32, #tpu.memory_space<vmem>>, vector<16xf32>,
      %parallel_loop3A_59 = arith.addf %parallel_loop3A_56, %parallel_loop3A_58 : vector<16xf32>
      %parallel_loop3A_60 = arith.index_cast %parallel_loop3A_40 : i32 to index
      %parallel_loop3A_61 = arith.constant 16 : index
      %parallel_loop3A_62 = tpu.vector_load %arg21[%parallel_loop3A_60, %parallel_loop3A_61] {strides = array<i32>} : memref<128x128xf32, #tpu.memory_space<vmem>>, vector<16xf32>,
      tpu.vector_store %arg21[%parallel_loop3A_60, %parallel_loop3A_61], %parallel_loop3A_59 {strides = array<i32>} : memref<128x128xf32, #tpu.memory_space<vmem>>, vector<16xf32>,
      %parallel_loop3A_63 = arith.index_cast %parallel_loop3A_40 : i32 to index
      %parallel_loop3A_64 = arith.constant 32 : index
      %parallel_loop3A_65 = tpu.vector_load %arg20[%parallel_loop3A_63, %parallel_loop3A_64] {strides = array<i32>} : memref<128x128xf32, #tpu.memory_space<vmem>>, vector<16xf32>,
      %parallel_loop3A_66 = arith.mulf %parallel_loop3A_42, %parallel_loop3A_65 : vector<16xf32>
      %parallel_loop3A_67 = arith.constant 32 : index
      %parallel_loop3A_68 = tpu.vector_load %arg15[%parallel_loop3A_67] {strides = array<i32>} : memref<128xf32, #tpu.memory_space<vmem>>, vector<16xf32>,
      %parallel_loop3A_69 = arith.addf %parallel_loop3A_66, %parallel_loop3A_68 : vector<16xf32>
      %parallel_loop3A_70 = arith.index_cast %parallel_loop3A_40 : i32 to index
      %parallel_loop3A_71 = arith.constant 32 : index
      %parallel_loop3A_72 = tpu.vector_load %arg21[%parallel_loop3A_70, %parallel_loop3A_71] {strides = array<i32>} : memref<128x128xf32, #tpu.memory_space<vmem>>, vector<16xf32>,
      tpu.vector_store %arg21[%parallel_loop3A_70, %parallel_loop3A_71], %parallel_loop3A_69 {strides = array<i32>} : memref<128x128xf32, #tpu.memory_space<vmem>>, vector<16xf32>,
      %parallel_loop3A_73 = arith.index_cast %parallel_loop3A_40 : i32 to index
      %parallel_loop3A_74 = arith.constant 48 : index
      %parallel_loop3A_75 = tpu.vector_load %arg20[%parallel_loop3A_73, %parallel_loop3A_74] {strides = array<i32>} : memref<128x128xf32, #tpu.memory_space<vmem>>, vector<16xf32>,
      %parallel_loop3A_76 = arith.mulf %parallel_loop3A_42, %parallel_loop3A_75 : vector<16xf32>
      %parallel_loop3A_77 = arith.constant 48 : index
      %parallel_loop3A_78 = tpu.vector_load %arg15[%parallel_loop3A_77] {strides = array<i32>} : memref<128xf32, #tpu.memory_space<vmem>>, vector<16xf32>,
      %parallel_loop3A_79 = arith.addf %parallel_loop3A_76, %parallel_loop3A_78 : vector<16xf32>
      %parallel_loop3A_80 = arith.index_cast %parallel_loop3A_40 : i32 to index
      %parallel_loop3A_81 = arith.constant 48 : index
      %parallel_loop3A_82 = tpu.vector_load %arg21[%parallel_loop3A_80, %parallel_loop3A_81] {strides = array<i32>} : memref<128x128xf32, #tpu.memory_space<vmem>>, vector<16xf32>,
      tpu.vector_store %arg21[%parallel_loop3A_80, %parallel_loop3A_81], %parallel_loop3A_79 {strides = array<i32>} : memref<128x128xf32, #tpu.memory_space<vmem>>, vector<16xf32>,
      %parallel_loop3A_83 = arith.index_cast %parallel_loop3A_40 : i32 to index
      %parallel_loop3A_84 = arith.constant 64 : index
      %parallel_loop3A_85 = tpu.vector_load %arg20[%parallel_loop3A_83, %parallel_loop3A_84] {strides = array<i32>} : memref<128x128xf32, #tpu.memory_space<vmem>>, vector<16xf32>,
      %parallel_loop3A_86 = arith.mulf %parallel_loop3A_42, %parallel_loop3A_85 : vector<16xf32>
      %parallel_loop3A_87 = arith.constant 64 : index
      %parallel_loop3A_88 = tpu.vector_load %arg15[%parallel_loop3A_87] {strides = array<i32>} : memref<128xf32, #tpu.memory_space<vmem>>, vector<16xf32>,
      %parallel_loop3A_89 = arith.addf %parallel_loop3A_86, %parallel_loop3A_88 : vector<16xf32>
      %parallel_loop3A_90 = arith.index_cast %parallel_loop3A_40 : i32 to index
      %parallel_loop3A_91 = arith.constant 64 : index
      %parallel_loop3A_92 = tpu.vector_load %arg21[%parallel_loop3A_90, %parallel_loop3A_91] {strides = array<i32>} : memref<128x128xf32, #tpu.memory_space<vmem>>, vector<16xf32>,
      tpu.vector_store %arg21[%parallel_loop3A_90, %parallel_loop3A_91], %parallel_loop3A_89 {strides = array<i32>} : memref<128x128xf32, #tpu.memory_space<vmem>>, vector<16xf32>,
      %parallel_loop3A_93 = arith.index_cast %parallel_loop3A_40 : i32 to index
      %parallel_loop3A_94 = arith.constant 80 : index
      %parallel_loop3A_95 = tpu.vector_load %arg20[%parallel_loop3A_93, %parallel_loop3A_94] {strides = array<i32>} : memref<128x128xf32, #tpu.memory_space<vmem>>, vector<16xf32>,
      %parallel_loop3A_96 = arith.mulf %parallel_loop3A_42, %parallel_loop3A_95 : vector<16xf32>
      %parallel_loop3A_97 = arith.constant 80 : index
      %parallel_loop3A_98 = tpu.vector_load %arg15[%parallel_loop3A_97] {strides = array<i32>} : memref<128xf32, #tpu.memory_space<vmem>>, vector<16xf32>,
      %parallel_loop3A_99 = arith.addf %parallel_loop3A_96, %parallel_loop3A_98 : vector<16xf32>
      %parallel_loop3A_100 = arith.index_cast %parallel_loop3A_40 : i32 to index
      %parallel_loop3A_101 = arith.constant 80 : index
      %parallel_loop3A_102 = tpu.vector_load %arg21[%parallel_loop3A_100, %parallel_loop3A_101] {strides = array<i32>} : memref<128x128xf32, #tpu.memory_space<vmem>>, vector<16xf32>,
      tpu.vector_store %arg21[%parallel_loop3A_100, %parallel_loop3A_101], %parallel_loop3A_99 {strides = array<i32>} : memref<128x128xf32, #tpu.memory_space<vmem>>, vector<16xf32>,
      %parallel_loop3A_103 = arith.index_cast %parallel_loop3A_40 : i32 to index
      %parallel_loop3A_104 = arith.constant 96 : index
      %parallel_loop3A_105 = tpu.vector_load %arg20[%parallel_loop3A_103, %parallel_loop3A_104] {strides = array<i32>} : memref<128x128xf32, #tpu.memory_space<vmem>>, vector<16xf32>,
      %parallel_loop3A_106 = arith.mulf %parallel_loop3A_42, %parallel_loop3A_105 : vector<16xf32>
      %parallel_loop3A_107 = arith.constant 96 : index
      %parallel_loop3A_108 = tpu.vector_load %arg15[%parallel_loop3A_107] {strides = array<i32>} : memref<128xf32, #tpu.memory_space<vmem>>, vector<16xf32>,
      %parallel_loop3A_109 = arith.addf %parallel_loop3A_106, %parallel_loop3A_108 : vector<16xf32>
      %parallel_loop3A_110 = arith.index_cast %parallel_loop3A_40 : i32 to index
      %parallel_loop3A_111 = arith.constant 96 : index
      %parallel_loop3A_112 = tpu.vector_load %arg21[%parallel_loop3A_110, %parallel_loop3A_111] {strides = array<i32>} : memref<128x128xf32, #tpu.memory_space<vmem>>, vector<16xf32>,
      tpu.vector_store %arg21[%parallel_loop3A_110, %parallel_loop3A_111], %parallel_loop3A_109 {strides = array<i32>} : memref<128x128xf32, #tpu.memory_space<vmem>>, vector<16xf32>,
      %parallel_loop3A_113 = arith.index_cast %parallel_loop3A_40 : i32 to index
      %parallel_loop3A_114 = arith.constant 112 : index
      %parallel_loop3A_115 = tpu.vector_load %arg20[%parallel_loop3A_113, %parallel_loop3A_114] {strides = array<i32>} : memref<128x128xf32, #tpu.memory_space<vmem>>, vector<16xf32>,
      %parallel_loop3A_116 = arith.mulf %parallel_loop3A_42, %parallel_loop3A_115 : vector<16xf32>
      %parallel_loop3A_117 = arith.constant 112 : index
      %parallel_loop3A_118 = tpu.vector_load %arg15[%parallel_loop3A_117] {strides = array<i32>} : memref<128xf32, #tpu.memory_space<vmem>>, vector<16xf32>,
      %parallel_loop3A_119 = arith.addf %parallel_loop3A_116, %parallel_loop3A_118 : vector<16xf32>
      %parallel_loop3A_120 = arith.index_cast %parallel_loop3A_40 : i32 to index
      %parallel_loop3A_121 = arith.constant 112 : index
      %parallel_loop3A_122 = tpu.vector_load %arg21[%parallel_loop3A_120, %parallel_loop3A_121] {strides = array<i32>} : memref<128x128xf32, #tpu.memory_space<vmem>>, vector<16xf32>,
      tpu.vector_store %arg21[%parallel_loop3A_120, %parallel_loop3A_121], %parallel_loop3A_119 {strides = array<i32>} : memref<128x128xf32, #tpu.memory_space<vmem>>, vector<16xf32>,
    } {sc.loop_unroll_factor = 4 : i64, sc.parallel_access}
    "tpu.region"() ({
      %run_scoped3A = tpu.sem_alloc : memref<!tpu.dma_semaphore, #tpu.memory_space<semaphore_mem>>
      %dma_start3A_40 = arith.constant 0 : i32
      %dma_start3A_41 = arith.constant 0 : i32
      %dma_start3A_42 = tpu.memref_slice %arg8[%add3A, %dma_start3A_40, %dma_start3A_41] : memref<32x1x128xi32, #tpu.memory_space<hbm>> -> memref<1x1x128xi32, #tpu.memory_space<hbm>>
      %dma_start3A_43 = tpu.memref_squeeze %dma_start3A_42 : memref<1x1x128xi32, #tpu.memory_space<hbm>> -> memref<1x128xi32, #tpu.memory_space<hbm>>
      %dma_start3A_44 = arith.constant 0 : i32
      %dma_start3A_45 = arith.constant 0 : i32
      %dma_start3A_46 = tpu.memref_slice %arg8[%add3A, %dma_start3A_44, %dma_start3A_45] : memref<32x1x128xi32, #tpu.memory_space<hbm>> -> memref<1x1x128xi32, #tpu.memory_space<hbm>>
      %dma_start3A_47 = tpu.memref_squeeze %dma_start3A_46 : memref<1x1x128xi32, #tpu.memory_space<hbm>> -> memref<1x128xi32, #tpu.memory_space<hbm>>
      tpu.enqueue_dma source(%arg17 : memref<1x128xi32, #tpu.memory_space<vmem>>) target(%dma_start3A_47 : memref<1x128xi32, #tpu.memory_space<hbm>>) target_semaphore(%run_scoped3A : memref<!tpu.dma_semaphore, #tpu.memory_space<semaphore_mem>>)
      %dma_wait3A_48 = arith.constant 0 : i32
      %dma_wait3A_49 = arith.constant 0 : i32
      %dma_wait3A_50 = tpu.memref_slice %arg8[%add3A, %dma_wait3A_48, %dma_wait3A_49] : memref<32x1x128xi32, #tpu.memory_space<hbm>> -> memref<1x1x128xi32, #tpu.memory_space<hbm>>
      %dma_wait3A_51 = tpu.memref_squeeze %dma_wait3A_50 : memref<1x1x128xi32, #tpu.memory_space<hbm>> -> memref<1x128xi32, #tpu.memory_space<hbm>>
      %dma_wait3A_52 = arith.constant 0 : i32
      %dma_wait3A_53 = arith.constant 0 : i32
      %dma_wait3A_54 = tpu.memref_slice %arg8[%add3A, %dma_wait3A_52, %dma_wait3A_53] : memref<32x1x128xi32, #tpu.memory_space<hbm>> -> memref<1x1x128xi32, #tpu.memory_space<hbm>>
      %dma_wait3A_55 = tpu.memref_squeeze %dma_wait3A_54 : memref<1x1x128xi32, #tpu.memory_space<hbm>> -> memref<1x128xi32, #tpu.memory_space<hbm>>
      tpu.wait_dma2 semaphore(%run_scoped3A : memref<!tpu.dma_semaphore, #tpu.memory_space<semaphore_mem>>) src(%arg17 : memref<1x128xi32, #tpu.memory_space<vmem>>) dst(%dma_wait3A_55 : memref<1x128xi32, #tpu.memory_space<hbm>>)
      tpu.yield
    }) : () -> ()
    %mul3A_38 = arith.constant 128 : i32
    %mul3A_39 = arith.muli %add3A, %mul3A_38 : i32
    "tpu.region"() ({
      %run_scoped3A = tpu.sem_alloc : memref<!tpu.dma_semaphore, #tpu.memory_space<semaphore_mem>>
      %dma_start3A_40 = arith.constant 0 : i32
      %dma_start3A_41 = tpu.memref_slice %arg9[%mul3A_39, %dma_start3A_40] : memref<4096x128xf32, #tpu.memory_space<hbm>> -> memref<128x128xf32, #tpu.memory_space<hbm>>
      %dma_start3A_42 = arith.constant 0 : i32
      %dma_start3A_43 = tpu.memref_slice %arg9[%mul3A_39, %dma_start3A_42] : memref<4096x128xf32, #tpu.memory_space<hbm>> -> memref<128x128xf32, #tpu.memory_space<hbm>>
      tpu.enqueue_dma source(%arg21 : memref<128x128xf32, #tpu.memory_space<vmem>>) target(%dma_start3A_43 : memref<128x128xf32, #tpu.memory_space<hbm>>) target_semaphore(%run_scoped3A : memref<!tpu.dma_semaphore, #tpu.memory_space<semaphore_mem>>)
      %dma_wait3A_44 = arith.constant 0 : i32
      %dma_wait3A_45 = tpu.memref_slice %arg9[%mul3A_39, %dma_wait3A_44] : memref<4096x128xf32, #tpu.memory_space<hbm>> -> memref<128x128xf32, #tpu.memory_space<hbm>>
      %dma_wait3A_46 = arith.constant 0 : i32
      %dma_wait3A_47 = tpu.memref_slice %arg9[%mul3A_39, %dma_wait3A_46] : memref<4096x128xf32, #tpu.memory_space<hbm>> -> memref<128x128xf32, #tpu.memory_space<hbm>>
      tpu.wait_dma2 semaphore(%run_scoped3A : memref<!tpu.dma_semaphore, #tpu.memory_space<semaphore_mem>>) src(%arg21 : memref<128x128xf32, #tpu.memory_space<vmem>>) dst(%dma_wait3A_47 : memref<128x128xf32, #tpu.memory_space<hbm>>)
      tpu.yield
    }) : () -> ()
    return
  }
}

#map = affine_map<(d0, d1) -> (0, 0, 0)>
#map1 = affine_map<(d0, d1) -> (0, 0)>
module attributes {stable_mosaic.version = 14 : i64} {
  func.func @new_body(%arg0: i32, %arg1: i32, %arg2: memref<32x1x128xi32, #tpu.memory_space<hbm>>, %arg3: memref<4096x128xf32, #tpu.memory_space<hbm>>, %arg4: memref<262144x128xf32, #tpu.memory_space<hbm>>, %arg5: memref<262144x128xf32, #tpu.memory_space<hbm>>, %arg6: memref<1x128xi32, #tpu.memory_space<vmem>>, %arg7: memref<128x128xf32, #tpu.memory_space<vmem>>) attributes {dimension_semantics = [#tpu.dimension_semantics<core_parallel>, #tpu.dimension_semantics<subcore_parallel>], iteration_bounds = array<i64: 2, 16>, scalar_prefetch = 0 : i64, scratch_operands = 2 : i64, tpu.core_type = #tpu.core_type<sc_vector_subcore>, window_params = [{transform_indices = #map}, {transform_indices = #map1}, {transform_indices = #map1}, {transform_indices = #map1}]} {
    %mul3A = arith.constant 2 : i32
    %mul3A_0 = arith.muli %arg1, %mul3A : i32
    %add3A = arith.addi %mul3A_0, %arg0 : i32
    "tpu.region"() ({
      %run_scoped3A_3 = tpu.sem_alloc : memref<!tpu.dma_semaphore, #tpu.memory_space<semaphore_mem>>
      %dma_start3A = arith.constant 0 : i32
      %dma_start3A_4 = arith.constant 0 : i32
      %dma_start3A_5 = tpu.memref_slice %arg2[%add3A, %dma_start3A, %dma_start3A_4] : memref<32x1x128xi32, #tpu.memory_space<hbm>> -> memref<1x1x128xi32, #tpu.memory_space<hbm>>
      %dma_start3A_6 = tpu.memref_squeeze %dma_start3A_5 : memref<1x1x128xi32, #tpu.memory_space<hbm>> -> memref<1x128xi32, #tpu.memory_space<hbm>>
      %dma_start3A_7 = arith.constant 0 : i32
      %dma_start3A_8 = arith.constant 0 : i32
      %dma_start3A_9 = tpu.memref_slice %arg2[%add3A, %dma_start3A_7, %dma_start3A_8] : memref<32x1x128xi32, #tpu.memory_space<hbm>> -> memref<1x1x128xi32, #tpu.memory_space<hbm>>
      %dma_start3A_10 = tpu.memref_squeeze %dma_start3A_9 : memref<1x1x128xi32, #tpu.memory_space<hbm>> -> memref<1x128xi32, #tpu.memory_space<hbm>>
      tpu.enqueue_dma source(%dma_start3A_10 : memref<1x128xi32, #tpu.memory_space<hbm>>) target(%arg6 : memref<1x128xi32, #tpu.memory_space<vmem>>) target_semaphore(%run_scoped3A_3 : memref<!tpu.dma_semaphore, #tpu.memory_space<semaphore_mem>>)
      %dma_wait3A = arith.constant 0 : i32
      %dma_wait3A_11 = arith.constant 0 : i32
      %dma_wait3A_12 = tpu.memref_slice %arg2[%add3A, %dma_wait3A, %dma_wait3A_11] : memref<32x1x128xi32, #tpu.memory_space<hbm>> -> memref<1x1x128xi32, #tpu.memory_space<hbm>>
      %dma_wait3A_13 = tpu.memref_squeeze %dma_wait3A_12 : memref<1x1x128xi32, #tpu.memory_space<hbm>> -> memref<1x128xi32, #tpu.memory_space<hbm>>
      %dma_wait3A_14 = arith.constant 0 : i32
      %dma_wait3A_15 = arith.constant 0 : i32
      %dma_wait3A_16 = tpu.memref_slice %arg2[%add3A, %dma_wait3A_14, %dma_wait3A_15] : memref<32x1x128xi32, #tpu.memory_space<hbm>> -> memref<1x1x128xi32, #tpu.memory_space<hbm>>
      %dma_wait3A_17 = tpu.memref_squeeze %dma_wait3A_16 : memref<1x1x128xi32, #tpu.memory_space<hbm>> -> memref<1x128xi32, #tpu.memory_space<hbm>>
      tpu.wait_dma2 semaphore(%run_scoped3A_3 : memref<!tpu.dma_semaphore, #tpu.memory_space<semaphore_mem>>) src(%dma_wait3A_17 : memref<1x128xi32, #tpu.memory_space<hbm>>) dst(%arg6 : memref<1x128xi32, #tpu.memory_space<vmem>>)
      tpu.yield
    }) : () -> ()
    %mul3A_1 = arith.constant 128 : i32
    %mul3A_2 = arith.muli %add3A, %mul3A_1 : i32
    "tpu.region"() ({
      %run_scoped3A_3 = tpu.sem_alloc : memref<!tpu.dma_semaphore, #tpu.memory_space<semaphore_mem>>
      %dma_start3A = arith.constant 0 : i32
      %dma_start3A_4 = tpu.memref_slice %arg3[%mul3A_2, %dma_start3A] : memref<4096x128xf32, #tpu.memory_space<hbm>> -> memref<128x128xf32, #tpu.memory_space<hbm>>
      %dma_start3A_5 = arith.constant 0 : i32
      %dma_start3A_6 = tpu.memref_slice %arg3[%mul3A_2, %dma_start3A_5] : memref<4096x128xf32, #tpu.memory_space<hbm>> -> memref<128x128xf32, #tpu.memory_space<hbm>>
      tpu.enqueue_dma source(%dma_start3A_6 : memref<128x128xf32, #tpu.memory_space<hbm>>) target(%arg7 : memref<128x128xf32, #tpu.memory_space<vmem>>) target_semaphore(%run_scoped3A_3 : memref<!tpu.dma_semaphore, #tpu.memory_space<semaphore_mem>>)
      %dma_wait3A = arith.constant 0 : i32
      %dma_wait3A_7 = tpu.memref_slice %arg3[%mul3A_2, %dma_wait3A] : memref<4096x128xf32, #tpu.memory_space<hbm>> -> memref<128x128xf32, #tpu.memory_space<hbm>>
      %dma_wait3A_8 = arith.constant 0 : i32
      %dma_wait3A_9 = tpu.memref_slice %arg3[%mul3A_2, %dma_wait3A_8] : memref<4096x128xf32, #tpu.memory_space<hbm>> -> memref<128x128xf32, #tpu.memory_space<hbm>>
      tpu.wait_dma2 semaphore(%run_scoped3A_3 : memref<!tpu.dma_semaphore, #tpu.memory_space<semaphore_mem>>) src(%dma_wait3A_9 : memref<128x128xf32, #tpu.memory_space<hbm>>) dst(%arg7 : memref<128x128xf32, #tpu.memory_space<vmem>>)
      tpu.yield
    }) : () -> ()
    %run_scoped3A = arith.constant 0 : i32
    "tpu.region"() ({
      %run_scoped3A_3 = tpu.sem_alloc : memref<!tpu.dma_semaphore, #tpu.memory_space<semaphore_mem>>
      %dma_start3A = arith.constant 0 : i32
      %dma_start3A_4 = tpu.memref_slice %arg6[%run_scoped3A, %dma_start3A] : memref<1x128xi32, #tpu.memory_space<vmem>> -> memref<1x128xi32, #tpu.memory_space<vmem>>
      %dma_start3A_5 = tpu.memref_squeeze %dma_start3A_4 : memref<1x128xi32, #tpu.memory_space<vmem>> -> memref<128xi32, #tpu.memory_space<vmem>>
      %dma_start3A_6 = arith.constant 0 : i32
      %dma_start3A_7 = arith.constant 0 : i32
      %dma_start3A_8 = tpu.memref_slice %arg4[%dma_start3A_6, %dma_start3A_7] : memref<262144x128xf32, #tpu.memory_space<hbm>> -> memref<262144x128xf32, #tpu.memory_space<hbm>>
      tpu.enqueue_indirect_dma source(%arg7 : memref<128x128xf32, #tpu.memory_space<vmem>>) target(%dma_start3A_8 : memref<262144x128xf32, #tpu.memory_space<hbm>>) offsets(%dma_start3A_5 : memref<128xi32, #tpu.memory_space<vmem>>) semaphore(%run_scoped3A_3 : memref<!tpu.dma_semaphore, #tpu.memory_space<semaphore_mem>>)
      %dma_wait3A = arith.constant 0 : i32
      %dma_wait3A_9 = tpu.memref_slice %arg6[%run_scoped3A, %dma_wait3A] : memref<1x128xi32, #tpu.memory_space<vmem>> -> memref<1x128xi32, #tpu.memory_space<vmem>>
      %dma_wait3A_10 = tpu.memref_squeeze %dma_wait3A_9 : memref<1x128xi32, #tpu.memory_space<vmem>> -> memref<128xi32, #tpu.memory_space<vmem>>
      %dma_wait3A_11 = arith.constant 0 : i32
      %dma_wait3A_12 = arith.constant 0 : i32
      %dma_wait3A_13 = tpu.memref_slice %arg4[%dma_wait3A_11, %dma_wait3A_12] : memref<262144x128xf32, #tpu.memory_space<hbm>> -> memref<262144x128xf32, #tpu.memory_space<hbm>>
      tpu.wait_indirect_dma semaphore(%run_scoped3A_3 : memref<!tpu.dma_semaphore, #tpu.memory_space<semaphore_mem>>) src(%arg7 : memref<128x128xf32, #tpu.memory_space<vmem>>) dst(%dma_wait3A_13 : memref<262144x128xf32, #tpu.memory_space<hbm>>)
      tpu.yield
    }) : () -> ()
    return
  }
}

module attributes {stable_mosaic.version = 14 : i64} {
  func.func @_background_body(%arg0: i32, %arg1: memref<1x128xf32, #tpu.memory_space<vmem>>, %arg2: memref<32768x128xf32, #tpu.memory_space<vmem>>) attributes {dimension_semantics = [#tpu.dimension_semantics<arbitrary>], iteration_bounds = array<i64: 8>, scalar_prefetch = 0 : i64, scratch_operands = 0 : i64, tpu.core_type = #tpu.core_type<tc>, window_params = [{pipeline_mode = #tpu.pipeline_mode<synchronous>, transform_indices = @transform_0, window_bounds = array<i64: 1, 128>}, {transform_indices = @transform_1, window_bounds = array<i64: 32768, 128>}]} {
    %get3A = arith.constant 0 : index
    %get3A_0 = arith.constant 0 : index
    %get3A_1 = vector.load %arg1[%get3A, %get3A_0] : memref<1x128xf32, #tpu.memory_space<vmem>>, vector<1x128xf32>
    %broadcast_in_dim3A = vector.shape_cast %get3A_1 : vector<1x128xf32> to vector<1x128xf32>
    %broadcast_in_dim3A_2 = vector.broadcast %broadcast_in_dim3A : vector<1x128xf32> to vector<32768x128xf32>
    %swap3A = arith.constant 0 : index
    %swap3A_3 = arith.constant 0 : index
    %swap3A_4 = vector.load %arg2[%swap3A, %swap3A_3] : memref<32768x128xf32, #tpu.memory_space<vmem>>, vector<32768x128xf32>
    tpu.vector_store %arg2[%swap3A, %swap3A_3], %broadcast_in_dim3A_2 {strides = array<i32>} : memref<32768x128xf32, #tpu.memory_space<vmem>>, vector<32768x128xf32>,
    return
  }
  func.func @transform_0(%arg0: i32) -> (i32, i32) {
    %c0_i32 = arith.constant 0 : i32
    %c0_i32_0 = arith.constant 0 : i32
    %c0_i32_1 = arith.constant 0 : i32
    return %c0_i32, %c0_i32_0 : i32, i32
  }
  func.func @transform_1(%arg0: i32) -> (i32, i32) {
    %c0_i32 = arith.constant 0 : i32
    %c0_i32_0 = arith.constant 0 : i32
    return %arg0, %c0_i32 : i32, i32
  }
}

module attributes {stable_mosaic.version = 14 : i64} {
  func.func @_edge_scores_body(%arg0: memref<512x128xf32, #tpu.memory_space<vmem>>, %arg1: memref<2x2048xi32, #tpu.memory_space<vmem>>, %arg2: memref<128x128xf32, #tpu.memory_space<vmem>>, %arg3: memref<1x128xf32, #tpu.memory_space<vmem>>, %arg4: memref<128x128xf32, #tpu.memory_space<vmem>>, %arg5: memref<1x128xf32, #tpu.memory_space<vmem>>, %arg6: memref<128x128xf32, #tpu.memory_space<vmem>>, %arg7: memref<1x128xf32, #tpu.memory_space<vmem>>, %arg8: memref<64x256xf32, #tpu.memory_space<vmem>>, %arg9: memref<1x64xf32, #tpu.memory_space<vmem>>, %arg10: memref<64x64xf32, #tpu.memory_space<vmem>>, %arg11: memref<1x64xf32, #tpu.memory_space<vmem>>, %arg12: memref<1x64xf32, #tpu.memory_space<vmem>>, %arg13: memref<1x1xf32, #tpu.memory_space<vmem>>, %arg14: memref<128x128xf32, #tpu.memory_space<vmem>>, %arg15: memref<1x2048xf32, #tpu.memory_space<vmem>>, %arg16: memref<1x2048xf32, #tpu.memory_space<vmem>>, %arg17: memref<512x128xf32, #tpu.memory_space<vmem>>) attributes {dimension_semantics = [], scalar_prefetch = 0 : i64, scratch_operands = 0 : i64, tpu.core_type = #tpu.core_type<tc>} {
    %get3A = arith.constant 0 : index
    %get3A_0 = arith.constant 0 : index
    %get3A_1 = vector.load %arg0[%get3A, %get3A_0] : memref<512x128xf32, #tpu.memory_space<vmem>>, vector<512x128xf32>
    %get3A_2 = arith.constant 0 : index
    %get3A_3 = arith.constant 0 : index
    %get3A_4 = vector.load %arg2[%get3A_2, %get3A_3] : memref<128x128xf32, #tpu.memory_space<vmem>>, vector<128x128xf32>
    %dot_general3A = arith.constant dense<0.000000e+00> : vector<512x128xf32>
    %dot_general3A_5 = tpu.matmul %get3A_1, %get3A_4, %dot_general3A {dimension_numbers = #tpu.dot_dimension_numbers<[1], [0], [0], [1], [0, 0, 1, 1], [], []>, transpose_lhs_hint = false} : vector<512x128xf32>, vector<128x128xf32>, vector<512x128xf32> -> vector<512x128xf32>
    %get3A_6 = arith.constant 0 : index
    %get3A_7 = arith.constant 0 : index
    %get3A_8 = vector.load %arg3[%get3A_6, %get3A_7] : memref<1x128xf32, #tpu.memory_space<vmem>>, vector<1x128xf32>
    %add3A = vector.broadcast %get3A_8 : vector<1x128xf32> to vector<512x128xf32>
    %add3A_9 = arith.addf %dot_general3A_5, %add3A : vector<512x128xf32>
    %get3A_10 = arith.constant 0 : index
    %get3A_11 = arith.constant 0 : index
    %get3A_12 = vector.load %arg4[%get3A_10, %get3A_11] : memref<128x128xf32, #tpu.memory_space<vmem>>, vector<128x128xf32>
    %dot_general3A_13 = arith.constant dense<0.000000e+00> : vector<512x128xf32>
    %dot_general3A_14 = tpu.matmul %get3A_1, %get3A_12, %dot_general3A_13 {dimension_numbers = #tpu.dot_dimension_numbers<[1], [0], [0], [1], [0, 0, 1, 1], [], []>, transpose_lhs_hint = false} : vector<512x128xf32>, vector<128x128xf32>, vector<512x128xf32> -> vector<512x128xf32>
    %get3A_15 = arith.constant 0 : index
    %get3A_16 = arith.constant 0 : index
    %get3A_17 = vector.load %arg5[%get3A_15, %get3A_16] : memref<1x128xf32, #tpu.memory_space<vmem>>, vector<1x128xf32>
    %add3A_18 = vector.broadcast %get3A_17 : vector<1x128xf32> to vector<512x128xf32>
    %add3A_19 = arith.addf %dot_general3A_14, %add3A_18 : vector<512x128xf32>
    %get3A_20 = arith.constant 0 : index
    %get3A_21 = arith.constant 0 : index
    %get3A_22 = vector.load %arg6[%get3A_20, %get3A_21] : memref<128x128xf32, #tpu.memory_space<vmem>>, vector<128x128xf32>
    %dot_general3A_23 = arith.constant dense<0.000000e+00> : vector<512x128xf32>
    %dot_general3A_24 = tpu.matmul %get3A_1, %get3A_22, %dot_general3A_23 {dimension_numbers = #tpu.dot_dimension_numbers<[1], [0], [0], [1], [0, 0, 1, 1], [], []>, transpose_lhs_hint = false} : vector<512x128xf32>, vector<128x128xf32>, vector<512x128xf32> -> vector<512x128xf32>
    %get3A_25 = arith.constant 0 : index
    %get3A_26 = arith.constant 0 : index
    %get3A_27 = vector.load %arg7[%get3A_25, %get3A_26] : memref<1x128xf32, #tpu.memory_space<vmem>>, vector<1x128xf32>
    %add3A_28 = vector.broadcast %get3A_27 : vector<1x128xf32> to vector<512x128xf32>
    %add3A_29 = arith.addf %dot_general3A_24, %add3A_28 : vector<512x128xf32>
    %get3A_30 = arith.constant 0 : index
    %get3A_31 = arith.constant 0 : index
    %get3A_32 = vector.load %arg14[%get3A_30, %get3A_31] : memref<128x128xf32, #tpu.memory_space<vmem>>, vector<128x128xf32>
    %dot_general3A_33 = arith.constant dense<0.000000e+00> : vector<512x128xf32>
    %dot_general3A_34 = tpu.matmul %add3A_29, %get3A_32, %dot_general3A_33 {dimension_numbers = #tpu.dot_dimension_numbers<[1], [0], [0], [1], [0, 0, 1, 1], [], []>, transpose_lhs_hint = false} : vector<512x128xf32>, vector<128x128xf32>, vector<512x128xf32> -> vector<512x128xf32>
    %swap3A = arith.constant 0 : index
    %swap3A_35 = arith.constant 0 : index
    %swap3A_36 = vector.load %arg17[%swap3A, %swap3A_35] : memref<512x128xf32, #tpu.memory_space<vmem>>, vector<512x128xf32>
    tpu.vector_store %arg17[%swap3A, %swap3A_35], %dot_general3A_34 {strides = array<i32>} : memref<512x128xf32, #tpu.memory_space<vmem>>, vector<512x128xf32>,
    %get3A_37 = arith.constant 0 : index
    %get3A_38 = arith.constant 0 : index
    %get3A_39 = vector.load %arg1[%get3A_37, %get3A_38] : memref<2x2048xi32, #tpu.memory_space<vmem>>, vector<2x2048xi32>
    %iota3A = tpu.iota {dimensions = array<i32: 0>} : vector<512x2048xi32>
    %slice3A = vector.extract_strided_slice %get3A_39 {offsets = [0, 0], sizes = [1, 2048], strides = [1, 1]} : vector<2x2048xi32> to vector<1x2048xi32>
    %eq3A = vector.broadcast %slice3A : vector<1x2048xi32> to vector<512x2048xi32>
    %eq3A_40 = arith.cmpi eq, %eq3A, %iota3A : vector<512x2048xi32>
    %convert_element_type3A = arith.extui %eq3A_40 : vector<512x2048xi1> to vector<512x2048xi32>
    %convert_element_type3A_41 = arith.sitofp %convert_element_type3A : vector<512x2048xi32> to vector<512x2048xf32>
    %slice3A_42 = vector.extract_strided_slice %get3A_39 {offsets = [1, 0], sizes = [1, 2048], strides = [1, 1]} : vector<2x2048xi32> to vector<1x2048xi32>
    %eq3A_43 = vector.broadcast %slice3A_42 : vector<1x2048xi32> to vector<512x2048xi32>
    %eq3A_44 = arith.cmpi eq, %eq3A_43, %iota3A : vector<512x2048xi32>
    %convert_element_type3A_45 = arith.extui %eq3A_44 : vector<512x2048xi1> to vector<512x2048xi32>
    %convert_element_type3A_46 = arith.sitofp %convert_element_type3A_45 : vector<512x2048xi32> to vector<512x2048xf32>
    %dot_general3A_47 = arith.constant dense<0.000000e+00> : vector<128x2048xf32>
    %dot_general3A_48 = tpu.matmul %add3A_9, %convert_element_type3A_41, %dot_general3A_47 {dimension_numbers = #tpu.dot_dimension_numbers<[0], [0], [1], [1], [0, 1, 1, 1], [], []>, transpose_lhs_hint = false} : vector<512x128xf32>, vector<512x2048xf32>, vector<128x2048xf32> -> vector<128x2048xf32>
    %dot_general3A_49 = arith.constant dense<0.000000e+00> : vector<128x2048xf32>
    %dot_general3A_50 = tpu.matmul %add3A_19, %convert_element_type3A_46, %dot_general3A_49 {dimension_numbers = #tpu.dot_dimension_numbers<[0], [0], [1], [1], [0, 1, 1, 1], [], []>, transpose_lhs_hint = false} : vector<512x128xf32>, vector<512x2048xf32>, vector<128x2048xf32> -> vector<128x2048xf32>
    %get3A_51 = arith.constant 0 : index
    %get3A_52 = arith.constant 0 : index
    %get3A_53 = vector.load %arg8[%get3A_51, %get3A_52] : memref<64x256xf32, #tpu.memory_space<vmem>>, vector<64x256xf32>
    %slice3A_54 = vector.extract_strided_slice %get3A_53 {offsets = [0, 0], sizes = [64, 128], strides = [1, 1]} : vector<64x256xf32> to vector<64x128xf32>
    %slice3A_55 = vector.extract_strided_slice %get3A_53 {offsets = [0, 128], sizes = [64, 128], strides = [1, 1]} : vector<64x256xf32> to vector<64x128xf32>
    %get3A_56 = arith.constant 0 : index
    %get3A_57 = arith.constant 0 : index
    %get3A_58 = vector.load %arg9[%get3A_56, %get3A_57] : memref<1x64xf32, #tpu.memory_space<vmem>>, vector<1x64xf32>
    %transpose3A = tpu.transpose %get3A_58, [1, 0] : vector<1x64xf32> -> vector<64x1xf32>
    %get3A_59 = arith.constant 0 : index
    %get3A_60 = arith.constant 0 : index
    %get3A_61 = vector.load %arg11[%get3A_59, %get3A_60] : memref<1x64xf32, #tpu.memory_space<vmem>>, vector<1x64xf32>
    %transpose3A_62 = tpu.transpose %get3A_61, [1, 0] : vector<1x64xf32> -> vector<64x1xf32>
    %dot_general3A_63 = arith.constant dense<0.000000e+00> : vector<64x2048xf32>
    %dot_general3A_64 = tpu.matmul %slice3A_54, %dot_general3A_48, %dot_general3A_63 {dimension_numbers = #tpu.dot_dimension_numbers<[1], [0], [0], [1], [0, 0, 1, 1], [], []>, transpose_lhs_hint = false} : vector<64x128xf32>, vector<128x2048xf32>, vector<64x2048xf32> -> vector<64x2048xf32>
    %dot_general3A_65 = arith.constant dense<0.000000e+00> : vector<64x2048xf32>
    %dot_general3A_66 = tpu.matmul %slice3A_55, %dot_general3A_50, %dot_general3A_65 {dimension_numbers = #tpu.dot_dimension_numbers<[1], [0], [0], [1], [0, 0, 1, 1], [], []>, transpose_lhs_hint = false} : vector<64x128xf32>, vector<128x2048xf32>, vector<64x2048xf32> -> vector<64x2048xf32>
    %add3A_67 = arith.addf %dot_general3A_64, %dot_general3A_66 : vector<64x2048xf32>
    %add3A_68 = vector.broadcast %transpose3A : vector<64x1xf32> to vector<64x2048xf32>
    %add3A_69 = arith.addf %add3A_67, %add3A_68 : vector<64x2048xf32>
    %max3A = arith.constant 0.000000e+00 : f32
    %max3A_70 = vector.broadcast %max3A : f32 to vector<64x2048xf32>
    %max3A_71 = arith.maximumf %add3A_69, %max3A_70 : vector<64x2048xf32>
    %get3A_72 = arith.constant 0 : index
    %get3A_73 = arith.constant 0 : index
    %get3A_74 = vector.load %arg10[%get3A_72, %get3A_73] : memref<64x64xf32, #tpu.memory_space<vmem>>, vector<64x64xf32>
    %dot_general3A_75 = arith.constant dense<0.000000e+00> : vector<64x2048xf32>
    %dot_general3A_76 = tpu.matmul %get3A_74, %max3A_71, %dot_general3A_75 {dimension_numbers = #tpu.dot_dimension_numbers<[0], [0], [1], [1], [0, 1, 1, 1], [], []>, transpose_lhs_hint = false} : vector<64x64xf32>, vector<64x2048xf32>, vector<64x2048xf32> -> vector<64x2048xf32>
    %add3A_77 = vector.broadcast %transpose3A_62 : vector<64x1xf32> to vector<64x2048xf32>
    %add3A_78 = arith.addf %dot_general3A_76, %add3A_77 : vector<64x2048xf32>
    %max3A_79 = arith.constant 0.000000e+00 : f32
    %max3A_80 = vector.broadcast %max3A_79 : f32 to vector<64x2048xf32>
    %max3A_81 = arith.maximumf %add3A_78, %max3A_80 : vector<64x2048xf32>
    %get3A_82 = arith.constant 0 : index
    %get3A_83 = arith.constant 0 : index
    %get3A_84 = vector.load %arg12[%get3A_82, %get3A_83] : memref<1x64xf32, #tpu.memory_space<vmem>>, vector<1x64xf32>
    %dot_general3A_85 = arith.constant dense<0.000000e+00> : vector<1x2048xf32>
    %dot_general3A_86 = tpu.matmul %get3A_84, %max3A_81, %dot_general3A_85 {dimension_numbers = #tpu.dot_dimension_numbers<[1], [0], [0], [1], [0, 0, 1, 1], [], []>, transpose_lhs_hint = false} : vector<1x64xf32>, vector<64x2048xf32>, vector<1x2048xf32> -> vector<1x2048xf32>
    %get3A_87 = arith.constant 0 : index
    %get3A_88 = arith.constant 0 : index
    %get3A_89 = vector.load %arg13[%get3A_87, %get3A_88] : memref<1x1xf32, #tpu.memory_space<vmem>>, vector<1x1xf32>
    %add3A_90 = vector.broadcast %get3A_89 : vector<1x1xf32> to vector<1x2048xf32>
    %add3A_91 = arith.addf %dot_general3A_86, %add3A_90 : vector<1x2048xf32>
    %ge3A = arith.constant 0.000000e+00 : f32
    %ge3A_92 = vector.broadcast %ge3A : f32 to vector<1x2048xf32>
    %ge3A_93 = arith.cmpf oge, %add3A_91, %ge3A_92 : vector<1x2048xf32>
    %mul3A = arith.constant 2.000000e-01 : f32
    %mul3A_94 = vector.broadcast %mul3A : f32 to vector<1x2048xf32>
    %mul3A_95 = arith.mulf %mul3A_94, %add3A_91 : vector<1x2048xf32>
    %select_n3A = arith.select %ge3A_93, %add3A_91, %mul3A_95 : vector<1x2048xi1>, vector<1x2048xf32>
    %swap3A_96 = arith.constant 0 : index
    %swap3A_97 = arith.constant 0 : index
    %swap3A_98 = vector.load %arg15[%swap3A_96, %swap3A_97] : memref<1x2048xf32, #tpu.memory_space<vmem>>, vector<1x2048xf32>
    tpu.vector_store %arg15[%swap3A_96, %swap3A_97], %select_n3A {strides = array<i32>} : memref<1x2048xf32, #tpu.memory_space<vmem>>, vector<1x2048xf32>,
    %dot_general3A_99 = arith.constant dense<0.000000e+00> : vector<64x2048xf32>
    %dot_general3A_100 = tpu.matmul %slice3A_54, %dot_general3A_50, %dot_general3A_99 {dimension_numbers = #tpu.dot_dimension_numbers<[1], [0], [0], [1], [0, 0, 1, 1], [], []>, transpose_lhs_hint = false} : vector<64x128xf32>, vector<128x2048xf32>, vector<64x2048xf32> -> vector<64x2048xf32>
    %dot_general3A_101 = arith.constant dense<0.000000e+00> : vector<64x2048xf32>
    %dot_general3A_102 = tpu.matmul %slice3A_55, %dot_general3A_48, %dot_general3A_101 {dimension_numbers = #tpu.dot_dimension_numbers<[1], [0], [0], [1], [0, 0, 1, 1], [], []>, transpose_lhs_hint = false} : vector<64x128xf32>, vector<128x2048xf32>, vector<64x2048xf32> -> vector<64x2048xf32>
    %add3A_103 = arith.addf %dot_general3A_100, %dot_general3A_102 : vector<64x2048xf32>
    %add3A_104 = vector.broadcast %transpose3A : vector<64x1xf32> to vector<64x2048xf32>
    %add3A_105 = arith.addf %add3A_103, %add3A_104 : vector<64x2048xf32>
    %max3A_106 = arith.constant 0.000000e+00 : f32
    %max3A_107 = vector.broadcast %max3A_106 : f32 to vector<64x2048xf32>
    %max3A_108 = arith.maximumf %add3A_105, %max3A_107 : vector<64x2048xf32>
    %get3A_109 = arith.constant 0 : index
    %get3A_110 = arith.constant 0 : index
    %get3A_111 = vector.load %arg10[%get3A_109, %get3A_110] : memref<64x64xf32, #tpu.memory_space<vmem>>, vector<64x64xf32>
    %dot_general3A_112 = arith.constant dense<0.000000e+00> : vector<64x2048xf32>
    %dot_general3A_113 = tpu.matmul %get3A_111, %max3A_108, %dot_general3A_112 {dimension_numbers = #tpu.dot_dimension_numbers<[0], [0], [1], [1], [0, 1, 1, 1], [], []>, transpose_lhs_hint = false} : vector<64x64xf32>, vector<64x2048xf32>, vector<64x2048xf32> -> vector<64x2048xf32>
    %add3A_114 = vector.broadcast %transpose3A_62 : vector<64x1xf32> to vector<64x2048xf32>
    %add3A_115 = arith.addf %dot_general3A_113, %add3A_114 : vector<64x2048xf32>
    %max3A_116 = arith.constant 0.000000e+00 : f32
    %max3A_117 = vector.broadcast %max3A_116 : f32 to vector<64x2048xf32>
    %max3A_118 = arith.maximumf %add3A_115, %max3A_117 : vector<64x2048xf32>
    %get3A_119 = arith.constant 0 : index
    %get3A_120 = arith.constant 0 : index
    %get3A_121 = vector.load %arg12[%get3A_119, %get3A_120] : memref<1x64xf32, #tpu.memory_space<vmem>>, vector<1x64xf32>
    %dot_general3A_122 = arith.constant dense<0.000000e+00> : vector<1x2048xf32>
    %dot_general3A_123 = tpu.matmul %get3A_121, %max3A_118, %dot_general3A_122 {dimension_numbers = #tpu.dot_dimension_numbers<[1], [0], [0], [1], [0, 0, 1, 1], [], []>, transpose_lhs_hint = false} : vector<1x64xf32>, vector<64x2048xf32>, vector<1x2048xf32> -> vector<1x2048xf32>
    %get3A_124 = arith.constant 0 : index
    %get3A_125 = arith.constant 0 : index
    %get3A_126 = vector.load %arg13[%get3A_124, %get3A_125] : memref<1x1xf32, #tpu.memory_space<vmem>>, vector<1x1xf32>
    %add3A_127 = vector.broadcast %get3A_126 : vector<1x1xf32> to vector<1x2048xf32>
    %add3A_128 = arith.addf %dot_general3A_123, %add3A_127 : vector<1x2048xf32>
    %ge3A_129 = arith.constant 0.000000e+00 : f32
    %ge3A_130 = vector.broadcast %ge3A_129 : f32 to vector<1x2048xf32>
    %ge3A_131 = arith.cmpf oge, %add3A_128, %ge3A_130 : vector<1x2048xf32>
    %mul3A_132 = arith.constant 2.000000e-01 : f32
    %mul3A_133 = vector.broadcast %mul3A_132 : f32 to vector<1x2048xf32>
    %mul3A_134 = arith.mulf %mul3A_133, %add3A_128 : vector<1x2048xf32>
    %select_n3A_135 = arith.select %ge3A_131, %add3A_128, %mul3A_134 : vector<1x2048xi1>, vector<1x2048xf32>
    %swap3A_136 = arith.constant 0 : index
    %swap3A_137 = arith.constant 0 : index
    %swap3A_138 = vector.load %arg16[%swap3A_136, %swap3A_137] : memref<1x2048xf32, #tpu.memory_space<vmem>>, vector<1x2048xf32>
    tpu.vector_store %arg16[%swap3A_136, %swap3A_137], %select_n3A_135 {strides = array<i32>} : memref<1x2048xf32, #tpu.memory_space<vmem>>, vector<1x2048xf32>,
    return
  }
}

</mosaic_0001>

<sc_bundles>
// kernel: kernel.6.cloned.1.call-start
scs
__scs_entry_jumppad:
0x0: {  	(pc) =	sbr.rel $0x88, $3  }
0x1: {  	(tag) =	ssettag $0x0;
	lr =	simm.s32 $0x1  }
0x2: {  	[smem:$0x3F91] =	sst lr;
	_ =	strace $0xD0000000  }
0x3: {  	_ = 	snop  }
0x4: {  	_ = 	snop  }
0x5: {  	_ = 	snop  }
0x6: {  	_ = 	snop  }
0x7: {  	_ = 	snop  }
__scs_overlays_trampoline_lowered:
0x8: {  	[smem:$0x3FA0] =	sst s0  }
0x9: {  	[smem:$0x3FA1] =	sst s1  }
0xa: {  	[smem:$0x3FA2] =	sst s2  }
0xb: {  	[smem:$0x3FA3] =	sst s3  }
0xc: {  	[smem:$0x3FA4] =	sst s4  }
0xd: {  	[smem:$0x3FA5] =	sst s5  }
0xe: {  	[smem:$0x3FA6] =	sst s6  }
0xf: {  	[smem:$0x3FA7] =	sst s7  }
0x10: {  	[smem:$0x3FA8] =	sst s8  }
0x11: {  	[smem:$0x3FA9] =	sst s9;
	s0 =	simm.s32 @!p0 $0x0  }
0x12: {  	s1 =	sld [smem:$0x3F8F];
	s0 =	simm.s32 @p0 $0x1  }
0x13: {  	[smem:$0x3FAA] =	sst s0;
	s0 =	simm.s32 @!p1 $0x0  }
0x14: {  	s2 =	sld [smem:$0x3F8E];
	s0 =	simm.s32 @p1 $0x1  }
0x15: {  	[smem:$0x3FAB] =	sst s0;
	s0 =	simm.s32 @!p2 $0x0  }
0x16: {  	s3 =	sld [smem:$0x3FDB];
	s0 =	simm.s32 @p2 $0x1  }
0x17: {  	s4 =	simm.s32 $0x1BF5;
	[smem:$0x3FAD] =	sst s0  }
0x18: {  	s0 =	sld [smem:$0x3F90];
	_ =	swait.ge [sflag:s4], $0x0  }
0x19: {  	s7 =	sld [smem:$0x3F91]  }
0x1a: {  	s8 =	sadd.s32 $0xFFFFE003, lr  }
0x1b: {  	s9 =	sadd.s32 $0xFFFFFEF7, lr;
	s5 =	simm.s32 $0xFFFFFFFF;
	p2 =	slt.u32 s8, $0xFFFFF086  }
0x1c: {  	p1 =	slt.u32 s9, $0xF7A;
	s5 =	simm.s32 @!p2 $0x0  }
0x1d: {  	s5 =	simm.s32 @p1 $0x1;
	p0 =	seq.s32 s7, s2  }
0x1e: {  	s7 =	smul.u32 @!p0 $0xF7A, s2;
	p2 =	seq.s32 @!p0 s5, $0x0  }
0x1f: {  	s9 =	smul.u32 $0xF7A, s1;
	s8 =	simm.s32 @!p0 $0x1BF5;
	p2 =	por !p2, p0  }
0x20: {  	[sflag:s8] =	ssyncset.s32 @!p0 $0xFFFFF086;
	s6 =	sadd.s32 @!p0 s3, s7;
	s7 =	simm.s32 @!p0 $0x108  }
0x21: {  	s3 =	sadd.s32 s3, s9;
	s6 =	sadd.s32 @!p0 $0x88, s6;
	s7 =	simm.s32 @p2 $0x1082  }
0x22: {  	[simem:s7], [sflag:s8] =	dma.local @!p0 [hbm:s6], $0xF7A  }
0x23: {  	s9 =	sor.u32 $0xD0000000, s2;
	s6 =	simm.s32 $0x108;
	_ =	swait.ge @!p0 [sflag:s8], $0x0  }
0x24: {  	s3 =	sadd.s32 $0x88, s3;
	s6 =	simm.s32 @!p1 $0x1082;
	[sflag:s4] =	ssyncset.s32 $0xFFFFF086  }
0x25: {  	[simem:s6], [sflag:s4] =	dma.local [hbm:s3], $0xF7A  }
0x26: {  	[smem:$0x3F91] =	sst s1;
	(tag) =	ssettag s2;
	_ =	strace s9  }
0x27: {  	s1 =	sld [smem:$0x3FA1]  }
0x28: {  	s2 =	sld [smem:$0x3FA2]  }
0x29: {  	s4 =	sld [smem:$0x3FA4]  }
0x2a: {  	p0 =	seq.s32 s5, $0x0;
	s5 =	sld [smem:$0x3FA5]  }
0x2b: {  	s6 =	sld [smem:$0x3FA6]  }
0x2c: {  	s7 =	sld [smem:$0x3FA7]  }
0x2d: {  	s3 =	simm.s32 $0x108;
	s8 =	sld [smem:$0x3FA8]  }
0x2e: {  	s3 =	simm.s32 @!p0 $0x1082;
	s9 =	sld [smem:$0x3FA9]  }
0x2f: {  	lr =	sadd.s32 s0, s3;
	s0 =	sld [smem:$0x3FA0]  }
0x30: {  	s3 =	sld [smem:$0x3FA3]  }
0x31: {  	[smem:$0x3FAC] =	sst s10  }
0x32: {  	s10 =	sld [smem:$0x3FAA];
	_ =	sdelay $0x3  }
0x33: {  	p0 =	seq.s32 s10, $0x1;
	s10 =	sld [smem:$0x3FAC];
	_ =	sdelay $0x3  }
0x34: {  	[smem:$0x3FAC] =	sst s10  }
0x35: {  	s10 =	sld [smem:$0x3FAB];
	_ =	sdelay $0x3  }
0x36: {  	p1 =	seq.s32 s10, $0x1;
	s10 =	sld [smem:$0x3FAC];
	_ =	sdelay $0x3  }
0x37: {  	[smem:$0x3FAC] =	sst s10  }
0x38: {  	s10 =	sld [smem:$0x3FAD]  }
0x39: {  	_ = 	snop;
	(pc) =	sbr.ind lr, $3  }
0x3a: {  	_ = 	snop  }
0x3b: {  	_ = 	snop  }
0x3c: {  	p2 =	seq.s32 s10, $0x1;
	s10 =	sld [smem:$0x3FAC]  }
0x3d: {  	_ =	shalt  }
0x3e: {  	_ =	shalt  }
0x3f: {  	_ =	shalt  }
0x40: {  	_ =	shalt  }
0x41: {  	_ =	shalt  }
0x42: {  	_ =	shalt  }
0x43: {  	_ =	shalt  }
0x44: {  	_ =	shalt  }
0x45: {  	_ =	shalt  }
0x46: {  	_ =	shalt  }
0x47: {  	_ =	shalt  }
0x48: {  	_ =	shalt  }
0x49: {  	_ =	shalt  }
0x4a: {  	_ =	shalt  }
0x4b: {  	_ =	shalt  }
0x4c: {  	_ =	shalt  }
0x4d: {  	_ =	shalt  }
0x4e: {  	_ =	shalt  }
0x4f: {  	_ =	shalt  }
0x50: {  	_ =	shalt  }
0x51: {  	_ =	shalt  }
0x52: {  	_ =	shalt  }
0x53: {  	_ =	shalt  }
0x54: {  	_ =	shalt  }
0x55: {  	_ =	shalt  }
0x56: {  	_ =	shalt  }
0x57: {  	_ =	shalt  }
0x58: {  	_ =	shalt  }
0x59: {  	_ =	shalt  }
0x5a: {  	_ =	shalt  }
0x5b: {  	_ =	shalt  }
0x5c: {  	_ =	shalt  }
0x5d: {  	_ =	shalt  }
0x5e: {  	_ =	shalt  }
0x5f: {  	_ =	shalt  }
0x60: {  	_ =	shalt  }
0x61: {  	_ =	shalt  }
0x62: {  	_ =	shalt  }
0x63: {  	_ =	shalt  }
0x64: {  	_ =	shalt  }
0x65: {  	_ =	shalt  }
0x66: {  	_ =	shalt  }
0x67: {  	_ =	shalt  }
0x68: {  	_ =	shalt  }
0x69: {  	_ =	shalt  }
0x6a: {  	_ =	shalt  }
0x6b: {  	_ =	shalt  }
0x6c: {  	_ =	shalt  }
0x6d: {  	_ =	shalt  }
0x6e: {  	_ =	shalt  }
0x6f: {  	_ =	shalt  }
0x70: {  	_ =	shalt  }
0x71: {  	_ =	shalt  }
0x72: {  	_ =	shalt  }
0x73: {  	_ =	shalt  }
0x74: {  	_ =	shalt  }
0x75: {  	_ =	shalt  }
0x76: {  	_ =	shalt  }
0x77: {  	_ =	shalt  }
0x78: {  	_ =	shalt  }
0x79: {  	_ =	shalt  }
0x7a: {  	_ =	shalt  }
0x7b: {  	_ =	shalt  }
0x7c: {  	_ =	shalt  }
0x7d: {  	_ =	shalt  }
0x7e: {  	_ =	shalt  }
0x7f: {  	_ =	shalt  }
0x80: {  	_ =	shalt  }
0x81: {  	_ =	shalt  }
0x82: {  	_ =	shalt  }
0x83: {  	_ =	shalt  }
0x84: {  	_ =	shalt  }
0x85: {  	_ =	shalt  }
0x86: {  	_ =	shalt  }
0x87: {  	_ =	shalt  }
.Lfunc_end0:
.L_simem_size_0:
called_computation_lowered:
.L_overlay_start_0:
0x88: {  	s2 =	sld [smem:$0x3FD9]  }
0x89: {  	s3 =	sld [smem:$0x3FFE];
	_ =	sdelay $0x1  }
0x8a: {  	s1 =	srdreg.scid  }
0x8b: {  	s0 =	sand.u32 $0x1, s1  }
0x8c: {  	s17 =	sshll.u32 s0, $0xA;
	s2 =	sadd.s32 s3, s2  }
0x8d: {  	s2 =	sadd.s32 s2, s17  }
0x8e: {  	[smem:$0x3FB8] =	sst s2  }
0x8f: {  	_ = 	snop  }
0x90: {  	s2 =	sld [smem:$0x3FBA];
	(tm) =	ssettm $0x1  }
0x91: {  	s18 =	sld [smem:$0x3FFB];
	_ =	sdelay $0x3  }
0x92: {  	_ =	strace s18  }
0x93: {  	s3 =	sld [smem:$0x3FFC];
	_ =	sdelay $0x3  }
0x94: {  	_ =	strace s3  }
0x95: {  	s3 =	sld [smem:$0x3FFD];
	_ =	sdelay $0x3  }
0x96: {  	_ =	strace s3  }
0x97: {  	_ =	strace $0x8FFFFFFF  }
0x98: {  	s19 =	sld [smem:$0x3FDB];
	_ =	sdelay $0x1  }
0x99: {  	s4 =	simm.s32 $_scs_section_size  }
0x9a: {  	s5 =	simm.s32 $_size__tile_overlayer_lowered;
	s6 =	simm.s32 $_tile_overlayer_lowered  }
0x9b: {  	s22 =	simm.s32 $0x1BFF;
	s21 =	sshll.u32 s6, $0x1;
	s3 =	sadd.s32 s4, s19  }
0x9c: {  	s7 =	simm.s32 $0x0;
	s20 =	sshll.u32 s5, $0x1;
	s5 =	sadd.s32 s21, s3  }
0x9d: {  	[timem:s7], [sflag:s22] =	dma.local [hbm:s5], s20  }
0x9e: {  	_ =	swait.ge [sflag:s22], s20  }
0x9f: {  	s4 =	ssub.s32 $0x0, s20;
	[sflag:s22] =	ssyncset.done $0x0  }
0xa0: {  	[sflag:s22] =	ssyncadd.s32 s4;
	_ =	sdelay $0x1  }
0xa1: {  	s23 =	simm.s32 $0x1B8B  }
0xa2: {  	_ =	swait.ge [sflag:s23], $0x1  }
0xa3: {  	[sflag:s23] =	ssyncset.done $0x0  }
0xa4: {  	s25 =	simm.s32 $0x1B8E;
	s24 =	sld [smem:$0x3FFE];
	[sflag:s23] =	ssyncadd.s32 $0xFFFFFFFF  }
0xa5: {  	s26 =	simm.s32 $execute0_lowered;
	[smem:$0x3FD2] =	sst s25  }
0xa6: {  	s5 =	sshll.u32 s26, $0x1;
	_ =	strace $0x80000046;
	[dreg:$0x1] =	wrdreg $0xFFFFFFFF  }
0xa7: {  	s28 =	simm.s32 $_size_execute0_lowered;
	s3 =	sadd.s32 s3, s5;
	[dreg:$0x0] =	wrdreg $0x0  }
0xa8: {  	s5 =	sshll.u32 s28, $0x1;
	[dreg:$0x2] =	wrdreg s3  }
0xa9: {  	[dreg:$0x3] =	wrdreg s5  }
0xaa: {  	[dreg:$0x4] =	wrdreg $0xC0  }
0xab: {  	_ =	task [dreg:s7], $0x5FFFF  }
0xac: {  	[dreg:$0x1] =	wrdreg $0xFFFFFFFF  }
0xad: {  	[dreg:$0x0] =	wrdreg $0x60  }
0xae: {  	[dreg:$0x2] =	wrdreg s24  }
0xaf: {  	[dreg:$0x3] =	wrdreg s2  }
0xb0: {  	[dreg:$0x4] =	wrdreg $0x9  }
0xb1: {  	_ =	task.clear_ibuf [dreg:s7], $0x5FFFF;
	_ =	strace $0x90000046  }
0xb2: {  	s29 =	simm.s32 $0x9;
	_ =	strace $0x80000048  }
0xb3: {  	_ =	swait.ge [sflag:s29], $0x1  }
0xb4: {  	[sflag:s29] =	ssyncadd.s32 $0xFFFFFFFF  }
0xb5: {  	_ =	strace $0x90000048  }
0xb6: {  	_ =	sfence  }
0xb7: {  	s30 =	sld [smem:$0x0];
	_ =	sdelay $0x2  }
0xb8: {  	s31 =	sshll.u32 s1, $0xD;
	s1 =	sshrl.u32 s1, $0x2  }
0xb9: {  	s3 =	sand.u32 $0x4000, s31;
	s1 =	sadd.s32 s1, s30  }
0xba: {  	s0 =	sor.u32 s3, s0;
	s1 =	sshll.u32 s1, $0x11  }
0xbb: {  	s0 =	sor.u32 s1, s0  }
0xbc: {  	s0 =	sadd.s32 $0x8F2B, s0  }
0xbd: {  	[sflag:s0] =	ssyncadd.remote.s32 $0x1  }
0xbe: {  	_ =	sfence.sel $0xFFFF  }
0xbf: {  	[dreg:$0x0] =	wrdreg $0xFFFFFFFF;
	(pc) =	sbr.abs _section_cstart, $3  }
0xc0: {  	[dreg:$0x1] =	wrdreg $0xFFFFFFFF  }
0xc1: {  	_ =	task.clear_ibuf [dreg:s7], $0x2FFFF;
	_ =	strace $0x9FFFFFFF  }
0xc2: {  	(tm) =	ssettm $0x7FFFFFFF  }
0xc3: {  	_ =	shalt  }
tec
execute0_lowered:
.L_overlay_start_1:
0x0: {  	(tag) =	ssettag $0x1  }
0x1: {  	s0 =	rddreg [dreg:$0x0];
	s2 =	simm.s32 $0x0  }
0x2: {  	s1 =	srdreg.scid;
	s3 =	stileid.u32;
	s13 =	simm.s32 $0x2800  }
0x3: {  	s14 =	simm.s32 $0x3000;
	s15 =	simm.s32 $0x3800;
	s16 =	simm.s32 $0x4000  }
0x4: {  	s17 =	simm.s32 $0x1;
	s18 =	simm.s32 $0x80;
	s19 =	simm.s32 $0x4200  }
0x5: {  	s20 =	simm.s32 $0x4300;
	s21 =	simm.s32 $0x4280;
	s22 =	simm.s32 $0x4180  }
0x6: {  	s23 =	simm.s32 $0x2;
	s24 =	simm.s32 $0x8300;
	s25 =	simm.s32 $0x0  }
0x7: {  	[smem:$0x7FF] =	sst s2;
	s4 =	sadd.s32 $0x3600, s0;
	s5 =	sadd.s32 $0x3400, s0  }
0x8: {  	s6 =	sadd.s32 $0x5800, s0;
	s1 =	sand.u32 $0x1, s1;
	s3 =	sshll.u32 s3, $0x1  }
0x9: {  	s7 =	sadd.s32 $0x5A00, s0;
	s8 =	sadd.s32 $0x3800, s0;
	s3 =	sor.u32 s1, s3  }
0xa: {  	_ =	strace $0x80000047;
	s1 =	ssub.s32 $0x2, s1;
	s12 =	sshll.u32 s3, $0x4  }
0xb: {  	s9 =	sshll.u32 s3, $0xB;
	s10 =	sshrl.u32 s1, $0x1;
	s3 =	sshll.u32 s3, $0xD  }
0xc: {  	v2 =	vimm.f32 $-Inf;
	s11 =	sadd.s32 s12, s0;
	s0 =	sadd.s32 s9, s0;
	s1 =	ssub.s32 s1, s10  }
0xd: {  	v3 =	vimm.s32 $0x0;
	v0 =	vmov s12;
	v1 =	vmov s3;
	s9 =	sadd.s32 $0x5C00, s11;
	s10 =	sadd.s32 $0x5E00, s0;
	s11 =	smax.u32 s1, $0x1  }
.LBB2_1:
0xe: {  	s0 =	simm.s32 $0x2000  }
0xf: {  	[tilespmem:s0], [sflag:$0x1] =	stream.linear.gather [hbm4b:s4+s2], $0x800, $0x38;
	[tilespmem:$0xC300] =	vst v63  }
0x10: {  	_ = 	snop  }
0x11: {  	[tilespmem:s13], [sflag:$0x1] =	stream.linear.gather [hbm4b:s5+s2], $0x800, $0x38;
	[tilespmem:$0xC300] =	vst v63  }
0x12: {  	_ = 	snop  }
0x13: {  	[tilespmem:s14], [sflag:$0x1] =	stream.linear.gather [hbm4b:s6+s2], $0x800, $0x38;
	[tilespmem:$0xC300] =	vst v63  }
0x14: {  	_ = 	snop  }
0x15: {  	[tilespmem:s15], [sflag:$0x1] =	stream.linear.gather [hbm4b:s7+s2], $0x800, $0x38;
	[tilespmem:$0xC300] =	vst v63  }
0x16: {  	s31 =	rddreg [dreg:$0x1]  }
0x17: {  	[tilespmem:s16], [sflag:$0x1] =	stream.linear.gather [hbm4b:s31+s2], $0x80, $0x38;
	[tilespmem:$0xC300] =	vst v63  }
0x18: {  	_ =	swait.ge [sflag:s17], $0x800  }
0x19: {  	[sflag:s17] =	ssyncset.done $0x0  }
0x1a: {  	[sflag:s17] =	ssyncadd.s32 $0xFFFFF800  }
0x1b: {  	_ =	swait.ge [sflag:s17], $0x800  }
0x1c: {  	[sflag:s17] =	ssyncset.done $0x0  }
0x1d: {  	[sflag:s17] =	ssyncadd.s32 $0xFFFFF800  }
0x1e: {  	_ =	swait.ge [sflag:s17], $0x800  }
0x1f: {  	[sflag:s17] =	ssyncset.done $0x0  }
0x20: {  	[sflag:s17] =	ssyncadd.s32 $0xFFFFF800  }
0x21: {  	_ =	swait.ge [sflag:s17], $0x800  }
0x22: {  	[sflag:s17] =	ssyncset.done $0x0  }
0x23: {  	[sflag:s17] =	ssyncadd.s32 $0xFFFFF800  }
0x24: {  	_ =	swait.ge [sflag:s17], $0x80  }
0x25: {  	[sflag:s17] =	ssyncset.done $0x0  }
0x26: {  	s0 =	simm.s32 $0x40;
	[sflag:s17] =	ssyncadd.s32 $0xFFFFFF80  }
0x27: {  	[tilespmem:s0+$0xFFFFFFC0] =	vst v2  }
0x28: {  	[tilespmem:s0+$0x30] =	vst v2  }
0x29: {  	[tilespmem:s0+$0x20] =	vst v2  }
0x2a: {  	[tilespmem:s0+$0x10] =	vst v2  }
0x2b: {  	[tilespmem:s0+$0x0] =	vst v2  }
0x2c: {  	[tilespmem:s0+$0xFFFFFFF0] =	vst v2  }
0x2d: {  	s3 =	simm.s32 $0x0;
	s1 =	simm.s32 $0x4080;
	[tilespmem:s0+$0xFFFFFFE0] =	vst v2  }
.LBB2_2:
0x2e: {  	s3 =	sadd.s32 $0x80, s3;
	[tilespmem:s0+$0xFFFFFFD0] =	vst v2;
	s0 =	sadd.s32 $0x80, s0  }
0x2f: {  	[tilespmem:s0+$0xFFFFFFC0] =	vst v2;
	p0 =	slt.u32 s3, $0x1F80  }
0x30: {  	[tilespmem:s0+$0x30] =	vst v2  }
.Ltmp0:
0x31: {  	[tilespmem:s0+$0x20] =	vst v2;
	(pc) =	sbr.rel @p0 .LBB2_2-.Ltmp0, $4  }
0x32: {  	[tilespmem:s0+$0x10] =	vst v2  }
0x33: {  	[tilespmem:s0+$0x0] =	vst v2  }
0x34: {  	[tilespmem:s0+$0xFFFFFFF0] =	vst v2  }
0x35: {  	[tilespmem:s0+$0xFFFFFFE0] =	vst v2  }
0x36: {  	[tilespmem:s0+$0xFFFFFFD0] =	vst v2;
	s28 =	simm.s32 $0x0  }
0x37: {  	s0 =	simm.s32 $0x2010;
	s3 =	simm.s32 $0x3010;
	s26 =	simm.s32 $0x2810;
	[tilespmem:s1+$0x0] =	vst v3  }
.LBB2_4:
0x38: {  	s28 =	sadd.s32 $0x10, s28  }
0x39: {  	s1 =	sadd.s32 $0x10, s1;
	p0 =	slt.u32 s28, $0x90  }
.Ltmp1:
0x3a: {  	[tilespmem:s1+$0x0] =	vst v3;
	(pc) =	sbr.rel @p0 .LBB2_4-.Ltmp1, $1  }
0x3b: {  	_ =	sdelay $0x3  }
0x3c: {  	v4 =	vld [tilespmem:s0+$0xFFFFFFF0];
	_ =	sdelay $0x1  }
0x3d: {  	v5 =	vld [tilespmem:s26+$0xFFFFFFF0];
	_ =	sdelay $0x2  }
0x3e: {  	v4 =	vsub.s32 v4, v0  }
0x3f: {  	v6 =	vshll.u32 v4, $0x9  }
0x40: {  	vm0 =	vlt.u32 v4, $0x10;
	v4 =	vadd.s32 v5, v6  }
0x41: {  	v5 =	vld [tilespmem:s3+$0xFFFFFFF0];
	v4 =	vnsel vm0, $0x0, v4;
	_ =	sdelay $0x1  }
0x42: {  	v6 =	vmpcnt.ones.xlane vm0;
	_ =	sdelay $0x1  }
0x43: {  	(v2sf) =	vpush v6, $0x0  }
0x44: {  	s1 =	simm.s32 $0x0;
	[tilespmem:v4+s2+$0x0] =	vst.idx.msk vm0, v5  }
0x45: {  	[tilespmem:s1+$0x4080] =	vst.msk vm0, v4  }
0x46: {  	v4 =	vld [tilespmem:s0+$0x0];
	_ =	sdelay $0x1  }
0x47: {  	v5 =	vld [tilespmem:s26+$0x0];
	_ =	sdelay $0x2  }
0x48: {  	v4 =	vsub.s32 v4, v0  }
0x49: {  	vm0 =	vlt.u32 v4, $0x10;
	v4 =	vshll.u32 v4, $0x9  }
0x4a: {  	v6 =	vmpcnt.ones.xlane vm0;
	v4 =	vadd.s32 v5, v4  }
0x4b: {  	v5 =	vld [tilespmem:s3+$0x0];
	v4 =	vnsel vm0, $0x0, v4  }
0x4c: {  	(v2sf) =	vpush v6, $0x0;
	_ =	sdelay $0x2  }
0x4d: {  	s28 =	spop (v2sf)  }
0x4e: {  	s1 =	sadd.s32 $0x0, s28;
	[tilespmem:v4+s2+$0x0] =	vst.idx.msk vm0, v5  }
0x4f: {  	s29 =	simm.s32 $0x2030;
	[tilespmem:s1+$0x4080] =	vst.msk vm0, v4  }
0x50: {  	v4 =	vld [tilespmem:s29+$0xFFFFFFF0]  }
0x51: {  	s30 =	simm.s32 $0x2830  }
0x52: {  	v5 =	vld [tilespmem:s30+$0xFFFFFFF0];
	_ =	sdelay $0x2  }
0x53: {  	v4 =	vsub.s32 v4, v0  }
0x54: {  	v6 =	vshll.u32 v4, $0x9  }
0x55: {  	s31 =	simm.s32 $0x3030;
	vm0 =	vlt.u32 v4, $0x10;
	v4 =	vadd.s32 v5, v6  }
0x56: {  	v5 =	vld [tilespmem:s31+$0xFFFFFFF0];
	v4 =	vnsel vm0, $0x0, v4  }
0x57: {  	s3 =	simm.s32 $0x2;
	v6 =	vmpcnt.ones.xlane vm0;
	s12 =	spop (v2sf)  }
.LBB2_6:
0x58: {  	s3 =	sadd.s32 $0x2, s3;
	s1 =	sadd.s32 s1, s12;
	s28 =	simm.s32 $0x3810  }
0x59: {  	p0 =	slt.u32 s3, $0x7E  }
0x5a: {  	(v2sf) =	vpush v6, $0x0  }
0x5b: {  	[tilespmem:v4+s2+$0x0] =	vst.idx.msk vm0, v5  }
0x5c: {  	[tilespmem:s1+$0x4080] =	vst.msk vm0, v4  }
0x5d: {  	v4 =	vld [tilespmem:s29+$0x0];
	_ =	sdelay $0x1  }
0x5e: {  	v5 =	vld [tilespmem:s30+$0x0];
	_ =	sdelay $0x2  }
0x5f: {  	v4 =	vsub.s32 v4, v0  }
0x60: {  	vm0 =	vlt.u32 v4, $0x10;
	v4 =	vshll.u32 v4, $0x9  }
0x61: {  	v4 =	vadd.s32 v5, v4;
	v5 =	vmpcnt.ones.xlane vm0  }
0x62: {  	v6 =	vld [tilespmem:s31+$0x0];
	v4 =	vnsel vm0, $0x0, v4  }
0x63: {  	(v2sf) =	vpush v5, $0x0;
	_ =	sdelay $0x2  }
0x64: {  	s12 =	spop (v2sf)  }
0x65: {  	s1 =	sadd.s32 s1, s12;
	[tilespmem:v4+s2+$0x0] =	vst.idx.msk vm0, v6  }
0x66: {  	s29 =	sadd.s32 $0x20, s29;
	[tilespmem:s1+$0x4080] =	vst.msk vm0, v4  }
0x67: {  	v4 =	vld [tilespmem:s29+$0xFFFFFFF0]  }
0x68: {  	s30 =	sadd.s32 $0x20, s30  }
0x69: {  	v5 =	vld [tilespmem:s30+$0xFFFFFFF0];
	_ =	sdelay $0x2  }
.Ltmp2:
0x6a: {  	v4 =	vsub.s32 v4, v0;
	(pc) =	sbr.rel @p0 .LBB2_6-.Ltmp2, $4  }
0x6b: {  	v6 =	vshll.u32 v4, $0x9  }
0x6c: {  	s31 =	sadd.s32 $0x20, s31;
	vm0 =	vlt.u32 v4, $0x10;
	v4 =	vadd.s32 v5, v6  }
0x6d: {  	v6 =	vmpcnt.ones.xlane vm0;
	v5 =	vld [tilespmem:s31+$0xFFFFFFF0];
	v4 =	vnsel vm0, $0x0, v4  }
0x6e: {  	s12 =	spop (v2sf)  }
0x6f: {  	_ =	sdelay $0x3  }
0x70: {  	(v2sf) =	vpush v6, $0x0  }
0x71: {  	s1 =	sadd.s32 s1, s12;
	[tilespmem:v4+s2+$0x0] =	vst.idx.msk vm0, v5  }
0x72: {  	[tilespmem:s1+$0x4080] =	vst.msk vm0, v4  }
0x73: {  	v4 =	vld [tilespmem:s29+$0x0];
	_ =	sdelay $0x1  }
0x74: {  	v5 =	vld [tilespmem:s30+$0x0];
	_ =	sdelay $0x2  }
0x75: {  	v4 =	vsub.s32 v4, v0  }
0x76: {  	v6 =	vshll.u32 v4, $0x9  }
0x77: {  	vm0 =	vlt.u32 v4, $0x10;
	v4 =	vadd.s32 v5, v6  }
0x78: {  	v5 =	vld [tilespmem:s31+$0x0];
	v4 =	vnsel vm0, $0x0, v4;
	_ =	sdelay $0x1  }
0x79: {  	v6 =	vmpcnt.ones.xlane vm0;
	_ =	sdelay $0x1  }
0x7a: {  	(v2sf) =	vpush v6, $0x0;
	s3 =	spop (v2sf)  }
0x7b: {  	s1 =	sadd.s32 s1, s3;
	[tilespmem:v4+s2+$0x0] =	vst.idx.msk vm0, v5  }
0x7c: {  	[tilespmem:s1+$0x4080] =	vst.msk vm0, v4  }
0x7d: {  	v4 =	vld [tilespmem:s26+$0xFFFFFFF0];
	_ =	sdelay $0x1  }
0x7e: {  	v5 =	vld [tilespmem:s0+$0xFFFFFFF0];
	_ =	sdelay $0x2  }
0x7f: {  	v4 =	vsub.s32 v4, v0  }
0x80: {  	v6 =	vshll.u32 v4, $0x9  }
0x81: {  	vm0 =	vlt.u32 v4, $0x10;
	v4 =	vadd.s32 v5, v6  }
0x82: {  	v5 =	vld [tilespmem:s28+$0xFFFFFFF0];
	v4 =	vnsel vm0, $0x0, v4;
	_ =	sdelay $0x1  }
0x83: {  	v6 =	vmpcnt.ones.xlane vm0;
	_ =	sdelay $0x1  }
0x84: {  	s29 =	simm.s32 $0x0;
	s12 =	spop (v2sf);
	(v2sf) =	vpush v6, $0x0  }
0x85: {  	s1 =	sadd.s32 s1, s12;
	[tilespmem:v4+s29+$0x0] =	vst.idx.msk vm0, v5  }
0x86: {  	[tilespmem:s1+$0x4080] =	vst.msk vm0, v4  }
0x87: {  	v4 =	vld [tilespmem:s26+$0x0];
	_ =	sdelay $0x1  }
0x88: {  	v5 =	vld [tilespmem:s0+$0x0];
	_ =	sdelay $0x2  }
0x89: {  	v4 =	vsub.s32 v4, v0  }
0x8a: {  	vm0 =	vlt.u32 v4, $0x10;
	v4 =	vshll.u32 v4, $0x9  }
0x8b: {  	v6 =	vmpcnt.ones.xlane vm0;
	v4 =	vadd.s32 v5, v4  }
0x8c: {  	v5 =	vld [tilespmem:s28+$0x0];
	v4 =	vnsel vm0, $0x0, v4  }
0x8d: {  	(v2sf) =	vpush v6, $0x0;
	_ =	sdelay $0x2  }
0x8e: {  	s31 =	spop (v2sf)  }
0x8f: {  	s1 =	sadd.s32 s1, s31;
	[tilespmem:v4+s29+$0x0] =	vst.idx.msk vm0, v5  }
0x90: {  	s30 =	simm.s32 $0x2830;
	[tilespmem:s1+$0x4080] =	vst.msk vm0, v4  }
0x91: {  	v4 =	vld [tilespmem:s30+$0xFFFFFFF0]  }
0x92: {  	s0 =	simm.s32 $0x2030  }
0x93: {  	v5 =	vld [tilespmem:s0+$0xFFFFFFF0];
	_ =	sdelay $0x2  }
0x94: {  	v4 =	vsub.s32 v4, v0  }
0x95: {  	v6 =	vshll.u32 v4, $0x9  }
0x96: {  	s28 =	simm.s32 $0x3830;
	vm0 =	vlt.u32 v4, $0x10;
	v4 =	vadd.s32 v5, v6  }
0x97: {  	v5 =	vld [tilespmem:s28+$0xFFFFFFF0];
	v4 =	vnsel vm0, $0x0, v4  }
0x98: {  	s3 =	simm.s32 $0x2;
	v6 =	vmpcnt.ones.xlane vm0;
	s12 =	spop (v2sf)  }
.LBB2_8:
0x99: {  	s3 =	sadd.s32 $0x2, s3;
	s1 =	sadd.s32 s1, s12  }
0x9a: {  	p0 =	slt.u32 s3, $0x7E  }
0x9b: {  	(v2sf) =	vpush v6, $0x0  }
0x9c: {  	[tilespmem:v4+s29+$0x0] =	vst.idx.msk vm0, v5  }
0x9d: {  	[tilespmem:s1+$0x4080] =	vst.msk vm0, v4  }
0x9e: {  	v4 =	vld [tilespmem:s30+$0x0];
	_ =	sdelay $0x1  }
0x9f: {  	v5 =	vld [tilespmem:s0+$0x0];
	_ =	sdelay $0x2  }
0xa0: {  	v4 =	vsub.s32 v4, v0  }
0xa1: {  	vm0 =	vlt.u32 v4, $0x10;
	v4 =	vshll.u32 v4, $0x9  }
0xa2: {  	v4 =	vadd.s32 v5, v4;
	v5 =	vmpcnt.ones.xlane vm0  }
0xa3: {  	v6 =	vld [tilespmem:s28+$0x0];
	v4 =	vnsel vm0, $0x0, v4  }
0xa4: {  	(v2sf) =	vpush v5, $0x0;
	_ =	sdelay $0x2  }
0xa5: {  	s12 =	spop (v2sf)  }
0xa6: {  	s1 =	sadd.s32 s1, s12;
	[tilespmem:v4+s29+$0x0] =	vst.idx.msk vm0, v6  }
0xa7: {  	s30 =	sadd.s32 $0x20, s30;
	[tilespmem:s1+$0x4080] =	vst.msk vm0, v4  }
0xa8: {  	v4 =	vld [tilespmem:s30+$0xFFFFFFF0]  }
0xa9: {  	s0 =	sadd.s32 $0x20, s0  }
0xaa: {  	v5 =	vld [tilespmem:s0+$0xFFFFFFF0];
	_ =	sdelay $0x2  }
.Ltmp3:
0xab: {  	v4 =	vsub.s32 v4, v0;
	(pc) =	sbr.rel @p0 .LBB2_8-.Ltmp3, $4  }
0xac: {  	v6 =	vshll.u32 v4, $0x9  }
0xad: {  	s28 =	sadd.s32 $0x20, s28;
	vm0 =	vlt.u32 v4, $0x10;
	v4 =	vadd.s32 v5, v6  }
0xae: {  	v6 =	vmpcnt.ones.xlane vm0;
	v5 =	vld [tilespmem:s28+$0xFFFFFFF0];
	v4 =	vnsel vm0, $0x0, v4  }
0xaf: {  	s12 =	spop (v2sf)  }
0xb0: {  	_ =	sdelay $0x3  }
0xb1: {  	s26 =	simm.s32 $0x0  }
0xb2: {  	s1 =	sadd.s32 s1, s12;
	[tilespmem:v4+s26+$0x0] =	vst.idx.msk vm0, v5  }
0xb3: {  	[tilespmem:s1+$0x4080] =	vst.msk vm0, v4  }
0xb4: {  	v4 =	vld [tilespmem:s30+$0x0];
	_ =	sdelay $0x4  }
0xb5: {  	v4 =	vsub.s32 v4, v0  }
0xb6: {  	vm15 =	vlt.u32 v4, $0x10  }
0xb7: {  	(v2sf) =	vpush v6, $0x0;
	v5 =	vmpcnt.ones.xlane vm15;
	_ =	sdelay $0x1  }
0xb8: {  	(v2sf) =	vpush v5, $0x0;
	_ =	sdelay $0x2  }
0xb9: {  	v5 =	vld [tilespmem:s0+$0x0];
	_ =	sdelay $0x3  }
0xba: {  	v4 =	vshll.u32 v4, $0x9  }
0xbb: {  	v4 =	vadd.s32 v5, v4  }
0xbc: {  	v5 =	vld [tilespmem:s28+$0x0];
	v4 =	vnsel vm15, $0x0, v4;
	_ =	sdelay $0x3  }
0xbd: {  	s30 =	spop (v2sf)  }
0xbe: {  	s0 =	sadd.s32 s1, s30;
	[tilespmem:v4+s26+$0x0] =	vst.idx.msk vm15, v5  }
0xbf: {  	s28 =	simm.s32 $0x40;
	[tilespmem:s0+$0x4080] =	vst.msk vm15, v4;
	s31 =	spop (v2sf)  }
.LBB2_10:
0xc0: {  	v6 =	vld [tilespmem:s28+$0xFFFFFFC0]  }
0xc1: {  	v7 =	vld [tilespmem:s28+$0xFFFFFFD0]  }
0xc2: {  	v8 =	vld [tilespmem:s28+$0xFFFFFFE0]  }
0xc3: {  	v4 =	vld [tilespmem:s28+$0xFFFFFFF0]  }
0xc4: {  	v9 =	vimm.f32 $-Inf;
	v5 =	vld [tilespmem:s28+$0x0]  }
0xc5: {  	v9 =	vmax.f32 v9, v6;
	v6 =	vld [tilespmem:s28+$0x10]  }
0xc6: {  	v9 =	vmax.f32 v9, v7;
	v7 =	vld [tilespmem:s28+$0x20]  }
0xc7: {  	s0 =	simm.s32 $0x0;
	s1 =	sadd.s32 $0x80, s28;
	v9 =	vmax.f32 v9, v8;
	v8 =	vld [tilespmem:s28+$0x30]  }
.LBB2_11:
0xc8: {  	v10 =	vld [tilespmem:s1+$0xFFFFFFC0];
	s0 =	sadd.s32 $0x80, s0;
	v4 =	vmax.f32 v9, v4  }
0xc9: {  	v9 =	vld [tilespmem:s1+$0xFFFFFFD0];
	p0 =	slt.u32 s0, $0x180;
	v4 =	vmax.f32 v4, v5  }
0xca: {  	v11 =	vld [tilespmem:s1+$0xFFFFFFE0];
	v5 =	vmax.f32 v4, v6  }
.Ltmp4:
0xcb: {  	v4 =	vld [tilespmem:s1+$0xFFFFFFF0];
	v6 =	vmax.f32 v5, v7;
	(pc) =	sbr.rel @p0 .LBB2_11-.Ltmp4, $4  }
0xcc: {  	v5 =	vld [tilespmem:s1+$0x0];
	v6 =	vmax.f32 v6, v8  }
0xcd: {  	v7 =	vmax.f32 v6, v10;
	v6 =	vld [tilespmem:s1+$0x10]  }
0xce: {  	v8 =	vmax.f32 v7, v9;
	v7 =	vld [tilespmem:s1+$0x20]  }
0xcf: {  	v9 =	vmax.f32 v8, v11;
	v8 =	vld [tilespmem:s1+$0x30];
	s1 =	sadd.s32 $0x80, s1  }
0xd0: {  	v4 =	vmax.f32 v9, v4  }
0xd1: {  	v4 =	vmax.f32 v4, v5  }
0xd2: {  	v4 =	vmax.f32 v4, v6  }
0xd3: {  	v4 =	vmax.f32 v4, v7  }
0xd4: {  	v4 =	vmax.f32 v4, v8  }
0xd5: {  	(xrf0) =	vmax.scan.msk.f32 $0xffff, v4;
	_ =	sdelay $0x3  }
0xd6: {  	v5 =	vld [tilespmem:s28+$0xFFFFFFC0];
	_ =	sdelay $0x1  }
0xd7: {  	v6 =	vld [tilespmem:s28+$0xFFFFFFD0];
	v4, _, _ =	vpop (xrf0)  }
0xd8: {  	v4 =	vbroadcast v4, $0xF  }
0xd9: {  	v7 =	vld [tilespmem:s28+$0xFFFFFFE0]  }
0xda: {  	v8 =	vld [tilespmem:s28+$0xFFFFFFF0];
	v5 =	vsub.f32 v5, v4;
	_ =	sdelay $0x1  }
0xdb: {  	v6 =	vsub.f32 v6, v4;
	v5 =	vmul.f32 $1.442695020e+00, v5  }
0xdc: {  	v9 =	vld [tilespmem:s28+$0x0]  }
0xdd: {  	v7 =	vsub.f32 v7, v4;
	v6 =	vmul.f32 $1.442695020e+00, v6;
	(erf) = vpow2.f32 v5  }
0xde: {  	v8 =	vsub.f32 v8, v4;
	v5 =	vld [tilespmem:s28+$0x10]  }
0xdf: {  	v10 =	vld [tilespmem:s28+$0x20];
	v7 =	vmul.f32 $1.442695020e+00, v7;
	(erf) = vpow2.f32 v6  }
0xe0: {  	v8 =	vmul.f32 $1.442695020e+00, v8  }
0xe1: {  	v6 =	vsub.f32 v9, v4;
	(erf) = vpow2.f32 v7  }
0xe2: {  	s29 =	sadd.s32 $0x80, s28;
	(erf) = vpow2.f32 v8;
	v8 =	vld [tilespmem:s28+$0x30]  }
0xe3: {  	v9 =	vld [tilespmem:s29+$0xFFFFFFC0];
	v6 =	vmul.f32 $1.442695020e+00, v6;
	v5 =	vsub.f32 v5, v4  }
0xe4: {  	v7 =	vsub.f32 v10, v4  }
0xe5: {  	v11 =	vld [tilespmem:s29+$0xFFFFFFD0];
	(erf) = vpow2.f32 v6;
	v5 =	vmul.f32 $1.442695020e+00, v5  }
0xe6: {  	v7 =	vmul.f32 $1.442695020e+00, v7;
	v6 =	vimm.f32 $0.0e+00;
	v10 =	vpop (erf)  }
0xe7: {  	v8 =	vsub.f32 v8, v4;
	(erf) = vpow2.f32 v5;
	v6 =	vadd.f32 v10, v6  }
0xe8: {  	v9 =	vsub.f32 v9, v4;
	v5 =	vld [tilespmem:s29+$0xFFFFFFE0];
	v12 =	vpop (erf)  }
0xe9: {  	(erf) = vpow2.f32 v7;
	v7 =	vld [tilespmem:s29+$0xFFFFFFF0];
	v8 =	vmul.f32 $1.442695020e+00, v8;
	v6 =	vadd.f32 v12, v6  }
0xea: {  	[tilespmem:s28+$0xFFFFFFC0] =	vst v10;
	v10 =	vsub.f32 v11, v4;
	v13 =	vpop (erf)  }
0xeb: {  	v14 =	vld [tilespmem:s29+$0x0];
	v9 =	vmul.f32 $1.442695020e+00, v9;
	v11 =	vpop (erf);
	(erf) = vpow2.f32 v8;
	v6 =	vadd.f32 v13, v6  }
0xec: {  	v8 =	vmul.f32 $1.442695020e+00, v10  }
0xed: {  	v15 =	vld [tilespmem:s29+$0x10];
	(erf) = vpow2.f32 v9;
	v5 =	vsub.f32 v5, v4;
	v6 =	vadd.f32 v11, v6  }
0xee: {  	[tilespmem:s28+$0xFFFFFFD0] =	vst v12;
	v10 =	vpop (erf);
	v7 =	vsub.f32 v7, v4  }
0xef: {  	[tilespmem:s28+$0xFFFFFFF0] =	vst v11;
	(erf) = vpow2.f32 v8;
	v9 =	vmul.f32 $1.442695020e+00, v5;
	v11 =	vadd.f32 v10, v6;
	v6 =	vld [tilespmem:s29+$0x20]  }
0xf0: {  	[tilespmem:s28+$0xFFFFFFE0] =	vst v13;
	v8 =	vsub.f32 v14, v4;
	v63 =	vpop (erf)  }
0xf1: {  	s31 =	simm.s32 $0x80;
	[tilespmem:s28+$0x0] =	vst v10;
	v5 =	vld [tilespmem:s29+$0x30];
	v10 =	vmul.f32 $1.442695020e+00, v7;
	(erf) = vpow2.f32 v9;
	v11 =	vadd.f32 v63, v11  }
0xf2: {  	s30 =	smov.u32 s28;
	s3 =	sadd.s32 $0x80, s29;
	s0 =	smov.u32 s29;
	v9 =	vsub.f32 v15, v4;
	[tilespmem:s28+$0x10] =	vst v63;
	v7 =	vpop (erf)  }
.LBB2_13:
0xf3: {  	v12 =	vld [tilespmem:s3+$0xFFFFFFC0];
	v13 =	vmul.f32 $1.442695020e+00, v8;
	(erf) = vpow2.f32 v10;
	[tilespmem:s30+$0x20] =	vst v7;
	v7 =	vadd.f32 v7, v11  }
0xf4: {  	s31 =	sadd.s32 $0x80, s31;
	v6 =	vsub.f32 v6, v4;
	v10 =	vpop (erf)  }
0xf5: {  	p0 =	slt.u32 s31, $0x180;
	v14 =	vmul.f32 $1.442695020e+00, v9;
	v11 =	vld [tilespmem:s3+$0xFFFFFFD0];
	(erf) = vpow2.f32 v13;
	[tilespmem:s30+$0x30] =	vst v10;
	v7 =	vadd.f32 v10, v7;
	s30 =	smov.u32 s0;
	s0 =	smov.u32 s3  }
0xf6: {  	v5 =	vsub.f32 v5, v4;
	v8 =	vpop (erf)  }
0xf7: {  	v6 =	vmul.f32 $1.442695020e+00, v6;
	v10 =	vld [tilespmem:s3+$0xFFFFFFE0];
	[tilespmem:s30+$0xFFFFFFC0] =	vst v8;
	v7 =	vadd.f32 v8, v7;
	(erf) = vpow2.f32 v14  }
0xf8: {  	v8 =	vsub.f32 v12, v4;
	v9 =	vpop (erf)  }
0xf9: {  	v5 =	vmul.f32 $1.442695020e+00, v5;
	v12 =	vld [tilespmem:s3+$0xFFFFFFF0];
	[tilespmem:s30+$0xFFFFFFD0] =	vst v9;
	v7 =	vadd.f32 v9, v7;
	(erf) = vpow2.f32 v6  }
0xfa: {  	v6 =	vsub.f32 v11, v4;
	v9 =	vpop (erf)  }
0xfb: {  	v14 =	vmul.f32 $1.442695020e+00, v8;
	v11 =	vld [tilespmem:s3+$0x0];
	[tilespmem:s30+$0xFFFFFFE0] =	vst v9;
	v7 =	vadd.f32 v9, v7;
	(erf) = vpow2.f32 v5  }
0xfc: {  	v5 =	vsub.f32 v10, v4;
	v9 =	vpop (erf)  }
0xfd: {  	v10 =	vmul.f32 $1.442695020e+00, v6;
	v13 =	vld [tilespmem:s3+$0x10];
	(erf) = vpow2.f32 v14;
	[tilespmem:s30+$0xFFFFFFF0] =	vst v9;
	v7 =	vadd.f32 v9, v7  }
.Ltmp5:
0xfe: {  	v9 =	vsub.f32 v12, v4;
	v8 =	vpop (erf);
	(pc) =	sbr.rel @p0 .LBB2_13-.Ltmp5, $4  }
0xff: {  	v12 =	vmul.f32 $1.442695020e+00, v5;
	v6 =	vld [tilespmem:s3+$0x20];
	(erf) = vpow2.f32 v10;
	[tilespmem:s30+$0x0] =	vst v8;
	v14 =	vadd.f32 v8, v7  }
0x100: {  	v8 =	vsub.f32 v11, v4;
	v11 =	vpop (erf)  }
0x101: {  	v10 =	vmul.f32 $1.442695020e+00, v9;
	v5 =	vld [tilespmem:s3+$0x30];
	(erf) = vpow2.f32 v12;
	[tilespmem:s30+$0x10] =	vst v11;
	v11 =	vadd.f32 v11, v14  }
0x102: {  	s3 =	sadd.s32 $0x80, s3;
	v9 =	vsub.f32 v13, v4;
	v7 =	vpop (erf)  }
0x103: {  	v8 =	vmul.f32 $1.442695020e+00, v8;
	(erf) = vpow2.f32 v10;
	v10 =	vadd.f32 v7, v11  }
0x104: {  	v6 =	vsub.f32 v6, v4;
	v11 =	vpop (erf);
	v9 =	vmul.f32 $1.442695020e+00, v9  }
0x105: {  	(erf) = vpow2.f32 v8;
	v8 =	vadd.f32 v11, v10  }
0x106: {  	v4 =	vsub.f32 v5, v4;
	v5 =	vpop (erf);
	v6 =	vmul.f32 $1.442695020e+00, v6  }
0x107: {  	(erf) = vpow2.f32 v9;
	v8 =	vadd.f32 v5, v8  }
0x108: {  	v9 =	vpop (erf);
	v4 =	vmul.f32 $1.442695020e+00, v4  }
0x109: {  	(erf) = vpow2.f32 v6;
	v8 =	vadd.f32 v9, v8  }
0x10a: {  	v6 =	vpop (erf)  }
0x10b: {  	(erf) = vpow2.f32 v4;
	v8 =	vadd.f32 v6, v8  }
0x10c: {  	v4 =	vpop (erf)  }
0x10d: {  	v8 =	vadd.f32 v4, v8  }
0x10e: {  	v10 =	vpop (erf)  }
0x10f: {  	v8 =	vadd.f32 v10, v8  }
0x110: {  	v12 =	vpop (erf)  }
0x111: {  	v8 =	vadd.f32 v12, v8  }
0x112: {  	v13 =	vpop (erf)  }
0x113: {  	v8 =	vadd.f32 v13, v8  }
0x114: {  	v14 =	vpop (erf)  }
0x115: {  	v8 =	vadd.f32 v14, v8;
	_ =	sdelay $0x1  }
0x116: {  	(xrf2) =	vadd.scan.msk.f32 $0xffff, v8;
	_ =	sdelay $0x7  }
0x117: {  	[tilespmem:s30+$0x20] =	vst v7  }
0x118: {  	[tilespmem:s30+$0x30] =	vst v11  }
0x119: {  	[tilespmem:s0+$0xFFFFFFC0] =	vst v5;
	v5, _, _ =	vpop (xrf2)  }
0x11a: {  	[tilespmem:s0+$0xFFFFFFD0] =	vst v9;
	v5 =	vbroadcast v5, $0xF  }
0x11b: {  	[tilespmem:s0+$0xFFFFFFE0] =	vst v6  }
0x11c: {  	[tilespmem:s0+$0xFFFFFFF0] =	vst v4;
	(erf) = vrcp.f32 v5  }
0x11d: {  	[tilespmem:s0+$0x0] =	vst v10  }
0x11e: {  	[tilespmem:s0+$0x10] =	vst v12  }
0x11f: {  	[tilespmem:s0+$0x20] =	vst v13  }
0x120: {  	[tilespmem:s0+$0x30] =	vst v14  }
0x121: {  	v7 =	vld [tilespmem:s28+$0x30]  }
0x122: {  	v9 =	vld [tilespmem:s28+$0xFFFFFFD0]  }
0x123: {  	v11 =	vld [tilespmem:s28+$0xFFFFFFE0]  }
0x124: {  	v8 =	vld [tilespmem:s28+$0xFFFFFFF0]  }
0x125: {  	v6 =	vld [tilespmem:s28+$0x0];
	v4 =	vpop (erf)  }
0x126: {  	v5 =	vld [tilespmem:s28+$0x10];
	v63 =	vmul.f32 v7, v4  }
0x127: {  	v7 =	vld [tilespmem:s28+$0x20];
	v10 =	vmul.f32 v9, v4  }
0x128: {  	s1 =	simm.s32 $0x0;
	s0 =	smov.u32 s28;
	v9 =	vld [tilespmem:s28+$0xFFFFFFC0];
	v11 =	vmul.f32 v11, v4;
	[tilespmem:s28+$0x30] =	vst v63  }
.LBB2_15:
0x129: {  	v12 =	vld [tilespmem:s29+$0x30];
	s1 =	sadd.s32 $0x80, s1;
	[tilespmem:s0+$0xFFFFFFD0] =	vst v10;
	v8 =	vmul.f32 v8, v4  }
0x12a: {  	v10 =	vld [tilespmem:s29+$0xFFFFFFD0];
	p0 =	slt.u32 s1, $0x180;
	[tilespmem:s0+$0xFFFFFFE0] =	vst v11;
	v6 =	vmul.f32 v6, v4  }
0x12b: {  	v11 =	vld [tilespmem:s29+$0xFFFFFFE0];
	[tilespmem:s0+$0xFFFFFFF0] =	vst v8;
	v5 =	vmul.f32 v5, v4  }
.Ltmp6:
0x12c: {  	v8 =	vld [tilespmem:s29+$0xFFFFFFF0];
	[tilespmem:s0+$0x0] =	vst v6;
	v7 =	vmul.f32 v7, v4;
	(pc) =	sbr.rel @p0 .LBB2_15-.Ltmp6, $4  }
0x12d: {  	v6 =	vld [tilespmem:s29+$0x0];
	v9 =	vmul.f32 v9, v4;
	[tilespmem:s0+$0x10] =	vst v5  }
0x12e: {  	v5 =	vld [tilespmem:s29+$0x10];
	v12 =	vmul.f32 v12, v4;
	[tilespmem:s0+$0x20] =	vst v7  }
0x12f: {  	v10 =	vmul.f32 v10, v4;
	v7 =	vld [tilespmem:s29+$0x20];
	[tilespmem:s0+$0xFFFFFFC0] =	vst v9;
	s0 =	smov.u32 s29  }
0x130: {  	s29 =	sadd.s32 $0x80, s29;
	v9 =	vld [tilespmem:s0+$0xFFFFFFC0];
	v11 =	vmul.f32 v11, v4;
	[tilespmem:s0+$0x30] =	vst v12  }
0x131: {  	[tilespmem:s0+$0xFFFFFFD0] =	vst v10;
	v8 =	vmul.f32 v8, v4;
	s26 =	sadd.s32 $0x1, s26  }
0x132: {  	[tilespmem:s0+$0xFFFFFFE0] =	vst v11;
	v6 =	vmul.f32 v6, v4;
	p0 =	sne.s32 s26, $0x10  }
.Ltmp7:
0x133: {  	[tilespmem:s0+$0xFFFFFFF0] =	vst v8;
	v5 =	vmul.f32 v5, v4;
	(pc) =	sbr.rel @p0 .LBB2_10-.Ltmp7, $4  }
0x134: {  	[tilespmem:s0+$0x0] =	vst v6;
	v63 =	vmul.f32 v7, v4  }
0x135: {  	v4 =	vmul.f32 v9, v4;
	[tilespmem:s0+$0x10] =	vst v5  }
0x136: {  	[tilespmem:s0+$0x20] =	vst v63  }
0x137: {  	s28 =	sadd.s32 $0x200, s28;
	[tilespmem:s0+$0xFFFFFFC0] =	vst v4  }
0x138: {  	s0 =	simm.s32 $0x4080  }
0x139: {  	v4 =	vld [tilespmem:s0+$0x0];
	_ =	sdelay $0x3  }
0x13a: {  	s30 =	simm.s32 $0x4090  }
0x13b: {  	s1 =	simm.s32 $0x4200;
	v6 =	vld [tilespmem:s30+$0x0];
	v5 =	vand.u32 $0x1FF, v4  }
0x13c: {  	s31 =	simm.s32 $0x4180;
	[tilespmem:s1+$0x0] =	vst v5;
	v5 =	vadd.s32 v1, v4  }
0x13d: {  	[tilespmem:s31+$0x0] =	vst v5  }
0x13e: {  	v4 =	vld.idx.msk [tilespmem:v4+s2+$0x0], $0xffff;
	_ =	sdelay $0x1  }
0x13f: {  	s1 =	simm.s32 $0x4210;
	v5 =	vand.u32 $0x1FF, v6  }
0x140: {  	s3 =	simm.s32 $0x4190;
	[tilespmem:s1+$0x0] =	vst v5;
	v5 =	vadd.s32 v1, v6  }
0x141: {  	s0 =	simm.s32 $0x4280;
	[tilespmem:s3+$0x0] =	vst v5  }
0x142: {  	s26 =	simm.s32 $0x10;
	s28 =	simm.s32 $0x40A0;
	[tilespmem:s0+$0x0] =	vst v4;
	v4 =	vld.idx.msk [tilespmem:v6+s2+$0x0], $0xffff  }
.LBB2_18:
0x143: {  	v5 =	vld [tilespmem:s28+$0x0];
	s26 =	sadd.s32 $0x10, s26  }
0x144: {  	p0 =	slt.u32 s26, $0x70;
	_ =	sdelay $0x2  }
.Ltmp8:
0x145: {  	s0 =	sadd.s32 $0x10, s0;
	(pc) =	sbr.rel @p0 .LBB2_18-.Ltmp8, $4  }
0x146: {  	s1 =	sadd.s32 $0x10, s1;
	v6 =	vand.u32 $0x1FF, v5;
	[tilespmem:s0+$0x0] =	vst v4  }
0x147: {  	s3 =	sadd.s32 $0x10, s3;
	v4 =	vadd.s32 v1, v5;
	[tilespmem:s1+$0x0] =	vst v6  }
0x148: {  	[tilespmem:s3+$0x0] =	vst v4  }
0x149: {  	s28 =	sadd.s32 $0x10, s28;
	v4 =	vld.idx.msk [tilespmem:v5+s2+$0x0], $0xffff  }
0x14a: {  	_ = 	snop  }
0x14b: {  	s1 =	simm.s32 $0x0  }
0x14c: {  	s12 =	simm.s32 $0x1;
	v5 =	vmov s1  }
0x14d: {  	s3 =	simm.s32 $0x3;
	s0 =	sadd.s32 $0x10, s0;
	v7 =	vmov s12;
	v5 =	vand.u32 $0xFFFFFFFC, v5  }
0x14e: {  	s26 =	simm.s32 $0x2;
	v6 =	vmov s3;
	v5 =	vbroadcast v5, $0x0;
	[tilespmem:s0+$0x0] =	vst v4;
	v4 =	vand.u32 $0xFFFFFFFD, v7  }
0x14f: {  	v7 =	vmov s26;
	[tilespmem:s20], [sflag:$0x1] =	stream.indirect.gather [hbm4b:s8+s18], $0x80, s19, s18, $0xb8;
	v8 =	vbroadcast v4, $0x0;
	[tilespmem:$0xC300] =	vst v63  }
0x150: {  	v4 =	vand.u32 $0xFFFFFFFE, v7;
	_ =	swait.ge [sflag:s17], $0x4000  }
0x151: {  	v7 =	vbroadcast v4, $0x0;
	[sflag:s17] =	ssyncset.done $0x0  }
0x152: {  	[sflag:s17] =	ssyncadd.s32 $0xFFFFC000  }
0x153: {  	v4 =	vld.idx.msk [tilespmem:v6+s21+$0x0], $0xffff  }
0x154: {  	v5 =	vld.idx.msk [tilespmem:v5+s21+$0x0], $0xffff  }
0x155: {  	s30 =	simm.s32 $0x4400;
	v6 =	vld.idx.msk [tilespmem:v8+s21+$0x0], $0xffff  }
0x156: {  	v8 =	vld [tilespmem:s30+$0x0]  }
0x157: {  	v7 =	vld.idx.msk [tilespmem:v7+s21+$0x0], $0xffff  }
0x158: {  	v9 =	vld [tilespmem:s30+$0xFFFFFF00]  }
0x159: {  	v10 =	vld [tilespmem:$0x4000]  }
0x15a: {  	v11 =	vld [tilespmem:s30+$0xFFFFFF80];
	_ =	sdelay $0x1  }
0x15b: {  	v8 =	vmul.f32 v8, v7  }
0x15c: {  	v12 =	vld [tilespmem:s30+$0x80];
	v9 =	vmul.f32 v9, v5  }
0x15d: {  	v8 =	vadd.f32 v8, v10  }
0x15e: {  	s28 =	simm.s32 $0x8400;
	v9 =	vadd.f32 v10, v9;
	v11 =	vmul.f32 v11, v6  }
0x15f: {  	[tilespmem:s28+$0x0] =	vst v8  }
0x160: {  	[tilespmem:s28+$0xFFFFFF00] =	vst v9;
	v9 =	vadd.f32 v11, v10;
	v11 =	vld [tilespmem:s30+$0x10]  }
0x161: {  	v8 =	vmul.f32 v12, v4;
	v12 =	vld [tilespmem:s30+$0xFFFFFF10]  }
0x162: {  	[tilespmem:s28+$0xFFFFFF80] =	vst v9;
	v9 =	vld [tilespmem:$0x4010]  }
0x163: {  	v8 =	vadd.f32 v8, v10;
	v10 =	vld [tilespmem:s30+$0xFFFFFF90]  }
0x164: {  	v14 =	vld [tilespmem:$0x4010]  }
0x165: {  	v13 =	vld [tilespmem:$0x4010];
	[tilespmem:s28+$0x80] =	vst v8;
	v11 =	vmul.f32 v11, v7  }
0x166: {  	v8 =	vld [tilespmem:s30+$0x90]  }
0x167: {  	v12 =	vmul.f32 v12, v5;
	v9 =	vadd.f32 v9, v11  }
0x168: {  	v10 =	vmul.f32 v10, v6;
	v11 =	vld [tilespmem:$0x4010]  }
0x169: {  	v12 =	vadd.f32 v14, v12;
	[tilespmem:s28+$0x10] =	vst v9  }
0x16a: {  	v9 =	vadd.f32 v13, v10;
	v10 =	vld [tilespmem:s30+$0x20]  }
0x16b: {  	[tilespmem:s28+$0xFFFFFF10] =	vst v12;
	v8 =	vmul.f32 v8, v4  }
0x16c: {  	[tilespmem:s28+$0xFFFFFF90] =	vst v9;
	v9 =	vld [tilespmem:$0x4020]  }
0x16d: {  	v12 =	vld [tilespmem:s30+$0xFFFFFF20];
	v8 =	vadd.f32 v11, v8  }
0x16e: {  	v11 =	vld [tilespmem:s30+$0xFFFFFFA0]  }
0x16f: {  	v13 =	vld [tilespmem:$0x4020];
	[tilespmem:s28+$0x90] =	vst v8;
	v8 =	vmul.f32 v10, v7  }
0x170: {  	v10 =	vld [tilespmem:s30+$0xA0]  }
0x171: {  	v14 =	vld [tilespmem:$0x4020];
	v8 =	vadd.f32 v9, v8  }
0x172: {  	v9 =	vld [tilespmem:$0x4020]  }
0x173: {  	v11 =	vmul.f32 v11, v6;
	[tilespmem:s28+$0x20] =	vst v8  }
0x174: {  	v8 =	vmul.f32 v12, v5;
	v12 =	vld [tilespmem:s30+$0x30]  }
0x175: {  	v11 =	vadd.f32 v13, v11;
	v10 =	vmul.f32 v10, v4  }
0x176: {  	v13 =	vld [tilespmem:$0x4030];
	v8 =	vadd.f32 v14, v8  }
0x177: {  	[tilespmem:s28+$0xFFFFFFA0] =	vst v11;
	v9 =	vadd.f32 v9, v10  }
0x178: {  	[tilespmem:s28+$0xFFFFFF20] =	vst v8;
	v8 =	vld [tilespmem:s30+$0xFFFFFFB0]  }
0x179: {  	v10 =	vld [tilespmem:s30+$0xFFFFFF30];
	[tilespmem:s28+$0xA0] =	vst v9;
	v11 =	vmul.f32 v12, v7  }
0x17a: {  	v9 =	vld [tilespmem:s30+$0xB0]  }
0x17b: {  	v12 =	vld [tilespmem:$0x4030];
	v11 =	vadd.f32 v13, v11  }
0x17c: {  	v13 =	vld [tilespmem:$0x4030]  }
0x17d: {  	[tilespmem:s28+$0x30] =	vst v11;
	v11 =	vld [tilespmem:$0x4030]  }
0x17e: {  	v8 =	vmul.f32 v8, v6;
	v14 =	vld [tilespmem:s30+$0x40]  }
0x17f: {  	v10 =	vmul.f32 v10, v5  }
0x180: {  	v8 =	vadd.f32 v12, v8;
	v12 =	vld [tilespmem:$0x4040]  }
0x181: {  	v9 =	vmul.f32 v9, v4;
	v10 =	vadd.f32 v13, v10  }
0x182: {  	[tilespmem:s28+$0xFFFFFFB0] =	vst v8  }
0x183: {  	s3 =	simm.s32 $0x4;
	v8 =	vadd.f32 v11, v9;
	[tilespmem:s28+$0xFFFFFF30] =	vst v10;
	v9 =	vld [tilespmem:s30+$0xFFFFFFC0];
	v10 =	vmul.f32 v14, v7  }
0x184: {  	s12 =	simm.s32 $0x5;
	v11 =	vmov s3;
	v14 =	vld [tilespmem:s30+$0xFFFFFF40]  }
0x185: {  	s26 =	simm.s32 $0x7;
	v19 =	vld [tilespmem:$0x4040];
	[tilespmem:s28+$0xB0] =	vst v8;
	v8 =	vand.u32 $0xFFFFFFFC, v11;
	v11 =	vmov s12;
	v10 =	vadd.f32 v12, v10  }
0x186: {  	v16 =	vmov s26;
	v17 =	vbroadcast v8, $0x0;
	v8 =	vand.u32 $0xFFFFFFFD, v11;
	v11 =	vld [tilespmem:$0x4040]  }
0x187: {  	v15 =	vld [tilespmem:s30+$0xC0];
	v18 =	vbroadcast v8, $0x0;
	[tilespmem:s28+$0x40] =	vst v10  }
0x188: {  	v20 =	vld [tilespmem:s30+$0x50]  }
0x189: {  	v13 =	vld [tilespmem:$0x4040];
	v9 =	vmul.f32 v9, v6  }
0x18a: {  	v12 =	vld [tilespmem:$0x4050];
	v10 =	vmul.f32 v14, v5  }
0x18b: {  	v8 =	vld.idx.msk [tilespmem:v16+s21+$0x0], $0xffff;
	v11 =	vadd.f32 v11, v9  }
0x18c: {  	s31 =	simm.s32 $0x8;
	v14 =	vmul.f32 v15, v4;
	v15 =	vadd.f32 v19, v10;
	v9 =	vld.idx.msk [tilespmem:v17+s21+$0x0], $0xffff  }
0x18d: {  	s29 =	simm.s32 $0x4400;
	s0 =	simm.s32 $0x6;
	s26 =	simm.s32 $0x8400;
	v10 =	vld.idx.msk [tilespmem:v18+s21+$0x0], $0xffff;
	[tilespmem:s28+$0xFFFFFFC0] =	vst v11;
	v16 =	vmul.f32 v20, v7  }
.LBB2_20:
0x18e: {  	p0 =	slt.u32 s31, $0x7C;
	v11 =	vmov s0;
	[tilespmem:s28+$0xFFFFFF40] =	vst v15;
	v15 =	vld [tilespmem:s30+$0xFFFFFFD0];
	v13 =	vadd.f32 v13, v14  }
0x18f: {  	v11 =	vand.u32 $0xFFFFFFFE, v11;
	v14 =	vld [tilespmem:s30+$0xFFFFFF50];
	v12 =	vadd.f32 v12, v16  }
0x190: {  	v11 =	vbroadcast v11, $0x0;
	v16 =	vld [tilespmem:$0x4050];
	[tilespmem:s28+$0xC0] =	vst v13  }
0x191: {  	[tilespmem:s28+$0x50] =	vst v12;
	v12 =	vld [tilespmem:s30+$0xD0]  }
0x192: {  	v13 =	vld [tilespmem:s30+$0x60]  }
0x193: {  	v17 =	vld [tilespmem:$0x4050];
	v15 =	vmul.f32 v15, v6  }
0x194: {  	v14 =	vmul.f32 v14, v5;
	v18 =	vld [tilespmem:$0x4060]  }
0x195: {  	v15 =	vadd.f32 v16, v15;
	v16 =	vld [tilespmem:$0x4050]  }
0x196: {  	s30 =	sadd.s32 $0x200, s30;
	v11 =	vld.idx.msk [tilespmem:v11+s21+$0x0], $0xffff;
	v12 =	vmul.f32 v12, v4  }
0x197: {  	v19 =	vld [tilespmem:s30+$0x0];
	[tilespmem:s28+$0xFFFFFFD0] =	vst v15;
	v13 =	vmul.f32 v13, v7  }
0x198: {  	v15 =	vld [tilespmem:s30+$0xFFFFFF00];
	v14 =	vadd.f32 v17, v14  }
0x199: {  	v17 =	vld [tilespmem:$0x4000];
	v13 =	vadd.f32 v18, v13  }
0x19a: {  	v18 =	vld [tilespmem:s30+$0xFFFFFF80];
	[tilespmem:s28+$0xFFFFFF50] =	vst v14;
	v12 =	vadd.f32 v16, v12  }
0x19b: {  	v14 =	vld [tilespmem:s30+$0x80];
	[tilespmem:s28+$0x60] =	vst v13  }
0x19c: {  	v13 =	vmul.f32 v19, v11;
	v16 =	vld [tilespmem:s29+$0x70];
	[tilespmem:s28+$0xD0] =	vst v12  }
0x19d: {  	v12 =	vmul.f32 v15, v9;
	v15 =	vld [tilespmem:s29+$0xFFFFFFE0]  }
0x19e: {  	v13 =	vadd.f32 v13, v17;
	v19 =	vld [tilespmem:$0x4070]  }
0x19f: {  	s28 =	sadd.s32 $0x200, s28;
	v12 =	vadd.f32 v17, v12;
	v18 =	vmul.f32 v18, v10;
	v20 =	vld [tilespmem:s29+$0xFFFFFF60]  }
0x1a0: {  	[tilespmem:s28+$0x0] =	vst v13;
	v13 =	vmul.f32 v14, v8;
	v14 =	vld [tilespmem:s29+$0xE0]  }
0x1a1: {  	[tilespmem:s28+$0xFFFFFF00] =	vst v12;
	v12 =	vadd.f32 v18, v17;
	v18 =	vld [tilespmem:s30+$0x10];
	v16 =	vmul.f32 v16, v7;
	v7 =	vmov v11  }
0x1a2: {  	v11 =	vld [tilespmem:s30+$0xFFFFFF10];
	v13 =	vadd.f32 v13, v17;
	v15 =	vmul.f32 v15, v6  }
0x1a3: {  	[tilespmem:s28+$0xFFFFFF80] =	vst v12;
	v12 =	vld [tilespmem:$0x4010];
	v16 =	vadd.f32 v19, v16  }
0x1a4: {  	v17 =	vld [tilespmem:s30+$0xFFFFFF90];
	[tilespmem:s28+$0x80] =	vst v13;
	v13 =	vmul.f32 v20, v5  }
0x1a5: {  	v19 =	vld [tilespmem:s30+$0x90];
	[tilespmem:s26+$0x70] =	vst v16;
	v14 =	vmul.f32 v14, v4  }
0x1a6: {  	v16 =	vld [tilespmem:$0x4010];
	v18 =	vmul.f32 v18, v7  }
0x1a7: {  	v11 =	vmul.f32 v11, v9;
	v20 =	vld [tilespmem:$0x4010]  }
0x1a8: {  	v12 =	vadd.f32 v12, v18;
	v18 =	vld [tilespmem:$0x4010]  }
0x1a9: {  	v17 =	vmul.f32 v17, v10;
	v21 =	vld [tilespmem:$0x4060]  }
0x1aa: {  	[tilespmem:s28+$0x10] =	vst v12;
	v12 =	vmul.f32 v19, v8;
	v19 =	vld [tilespmem:$0x4060]  }
0x1ab: {  	v16 =	vadd.f32 v16, v17;
	v17 =	vld [tilespmem:s30+$0x20]  }
0x1ac: {  	v11 =	vadd.f32 v20, v11;
	v20 =	vld [tilespmem:$0x4060]  }
0x1ad: {  	[tilespmem:s28+$0xFFFFFF90] =	vst v16;
	v16 =	vld [tilespmem:$0x4020];
	v12 =	vadd.f32 v18, v12  }
0x1ae: {  	[tilespmem:s28+$0xFFFFFF10] =	vst v11;
	v11 =	vld [tilespmem:s30+$0xFFFFFFA0];
	v15 =	vadd.f32 v21, v15  }
0x1af: {  	v18 =	vld [tilespmem:s30+$0xFFFFFF20];
	[tilespmem:s28+$0x90] =	vst v12;
	v12 =	vadd.f32 v19, v13  }
0x1b0: {  	v13 =	vmul.f32 v17, v7;
	v17 =	vld [tilespmem:s30+$0xA0];
	[tilespmem:s26+$0xFFFFFFE0] =	vst v15  }
0x1b1: {  	v15 =	vld [tilespmem:$0x4020];
	[tilespmem:s26+$0xFFFFFF60] =	vst v12;
	v12 =	vadd.f32 v20, v14  }
0x1b2: {  	v14 =	vld [tilespmem:$0x4020];
	v13 =	vadd.f32 v16, v13  }
0x1b3: {  	v11 =	vmul.f32 v11, v10;
	v16 =	vld [tilespmem:$0x4020];
	[tilespmem:s26+$0xE0] =	vst v12  }
0x1b4: {  	v12 =	vmul.f32 v18, v9;
	[tilespmem:s28+$0x20] =	vst v13;
	v13 =	vld [tilespmem:s29+$0xFFFFFFF0]  }
0x1b5: {  	v18 =	vld [tilespmem:s30+$0x30];
	v17 =	vmul.f32 v17, v8  }
0x1b6: {  	v11 =	vadd.f32 v15, v11;
	v15 =	vld [tilespmem:s29+$0xFFFFFF70]  }
0x1b7: {  	v12 =	vadd.f32 v14, v12;
	v14 =	vld [tilespmem:$0x4030]  }
0x1b8: {  	[tilespmem:s28+$0xFFFFFFA0] =	vst v11;
	v11 =	vadd.f32 v16, v17;
	v16 =	vld [tilespmem:s29+$0xF0];
	s29 =	smov.u32 s30  }
0x1b9: {  	[tilespmem:s28+$0xFFFFFF20] =	vst v12;
	v12 =	vld [tilespmem:s30+$0xFFFFFFB0];
	v13 =	vmul.f32 v13, v6;
	v6 =	vmov v10  }
0x1ba: {  	v10 =	vld [tilespmem:s30+$0xFFFFFF30];
	v17 =	vmul.f32 v18, v7;
	[tilespmem:s28+$0xA0] =	vst v11  }
0x1bb: {  	v11 =	vld [tilespmem:s30+$0xB0];
	v15 =	vmul.f32 v15, v5;
	v5 =	vmov v9  }
0x1bc: {  	v9 =	vld [tilespmem:$0x4030];
	v14 =	vadd.f32 v14, v17  }
0x1bd: {  	v17 =	vld [tilespmem:$0x4030];
	v16 =	vmul.f32 v16, v4;
	v4 =	vmov v8  }
0x1be: {  	v8 =	vmul.f32 v12, v6;
	[tilespmem:s28+$0x30] =	vst v14;
	v12 =	vld [tilespmem:$0x4030]  }
0x1bf: {  	v10 =	vmul.f32 v10, v5;
	v14 =	vld [tilespmem:s30+$0x40]  }
0x1c0: {  	v11 =	vmul.f32 v11, v4;
	v18 =	vld [tilespmem:$0x4070]  }
0x1c1: {  	v8 =	vadd.f32 v9, v8;
	v9 =	vld [tilespmem:$0x4040]  }
0x1c2: {  	v10 =	vadd.f32 v17, v10;
	v17 =	vld [tilespmem:$0x4070]  }
0x1c3: {  	[tilespmem:s28+$0xFFFFFFB0] =	vst v8;
	v8 =	vadd.f32 v12, v11;
	v11 =	vld [tilespmem:$0x4070]  }
0x1c4: {  	s0 =	sadd.s32 $0x3, s31;
	[tilespmem:s28+$0xFFFFFF30] =	vst v10;
	v10 =	vld [tilespmem:s30+$0xFFFFFFC0];
	v12 =	vmul.f32 v14, v7  }
0x1c5: {  	s1 =	sadd.s32 $0x1, s31;
	v19 =	vmov s0;
	v14 =	vmov s31;
	v20 =	vld [tilespmem:s30+$0xFFFFFF40];
	[tilespmem:s28+$0xB0] =	vst v8;
	v8 =	vadd.f32 v18, v13  }
0x1c6: {  	v13 =	vand.u32 $0xFFFFFFFC, v14;
	v14 =	vmov s1;
	v9 =	vadd.f32 v9, v12;
	v18 =	vld [tilespmem:s30+$0xC0]  }
0x1c7: {  	v21 =	vbroadcast v13, $0x0;
	v12 =	vand.u32 $0xFFFFFFFD, v14;
	v22 =	vld [tilespmem:$0x4040];
	v13 =	vadd.f32 v17, v15;
	[tilespmem:s26+$0xFFFFFFF0] =	vst v8  }
0x1c8: {  	v17 =	vbroadcast v12, $0x0;
	v15 =	vld [tilespmem:$0x4040];
	[tilespmem:s28+$0x40] =	vst v9;
	v8 =	vadd.f32 v11, v16  }
0x1c9: {  	v9 =	vmul.f32 v10, v6;
	v11 =	vld [tilespmem:s30+$0x50];
	[tilespmem:s26+$0xFFFFFF70] =	vst v13  }
.Ltmp9:
0x1ca: {  	v10 =	vmul.f32 v20, v5;
	v13 =	vld [tilespmem:$0x4040];
	[tilespmem:s26+$0xF0] =	vst v8;
	s26 =	smov.u32 s28;
	(pc) =	sbr.rel @p0 .LBB2_20-.Ltmp9, $4  }
0x1cb: {  	v12 =	vld [tilespmem:$0x4050];
	v14 =	vmul.f32 v18, v4  }
0x1cc: {  	v8 =	vld.idx.msk [tilespmem:v19+s21+$0x0], $0xffff;
	v16 =	vadd.f32 v22, v9  }
0x1cd: {  	v9 =	vld.idx.msk [tilespmem:v21+s21+$0x0], $0xffff;
	v15 =	vadd.f32 v15, v10  }
0x1ce: {  	s0 =	sadd.s32 $0x2, s31;
	s31 =	sadd.s32 $0x4, s31;
	v10 =	vld.idx.msk [tilespmem:v17+s21+$0x0], $0xffff;
	[tilespmem:s28+$0xFFFFFFC0] =	vst v16;
	v16 =	vmul.f32 v11, v7  }
0x1cf: {  	v19 =	vld [tilespmem:$0x4000]  }
0x1d0: {  	v11 =	vmov s0;
	v47 =	vld [tilespmem:s30+$0xFFFFFFD0]  }
0x1d1: {  	s12 =	sadd.s32 $0x200, s30;
	v24 =	vld [tilespmem:$0x4050];
	v11 =	vand.u32 $0xFFFFFFFE, v11  }
0x1d2: {  	v17 =	vld [tilespmem:s12+$0x0];
	v11 =	vbroadcast v11, $0x0  }
0x1d3: {  	v18 =	vld [tilespmem:s12+$0xFFFFFF00]  }
0x1d4: {  	v21 =	vld [tilespmem:s12+$0x80]  }
0x1d5: {  	[tilespmem:s28+$0xFFFFFF40] =	vst v15;
	v20 =	vld [tilespmem:s12+$0xFFFFFF80]  }
0x1d6: {  	v13 =	vadd.f32 v13, v14;
	v49 =	vld [tilespmem:s30+$0xFFFFFF50]  }
0x1d7: {  	v63 =	vld [tilespmem:$0x4050]  }
0x1d8: {  	v12 =	vadd.f32 v12, v16;
	[tilespmem:s28+$0xC0] =	vst v13;
	v48 =	vmul.f32 v18, v9;
	v11 =	vld.idx.msk [tilespmem:v11+s21+$0x0], $0xffff  }
0x1d9: {  	v51 =	vld [tilespmem:s30+$0xD0];
	v55 =	vmul.f32 v21, v8  }
0x1da: {  	[tilespmem:s28+$0x50] =	vst v12;
	v37 =	vld [tilespmem:$0x4050];
	v53 =	vmul.f32 v20, v10;
	v52 =	vadd.f32 v19, v48  }
0x1db: {  	s31 =	sadd.s32 $0x200, s28;
	v54 =	vld [tilespmem:s30+$0x60];
	v13 =	vadd.f32 v55, v19  }
0x1dc: {  	v25 =	vld [tilespmem:$0x4060];
	v56 =	vadd.f32 v53, v19;
	[tilespmem:s31+$0xFFFFFF00] =	vst v52  }
0x1dd: {  	[tilespmem:s31+$0x80] =	vst v13;
	v58 =	vld [tilespmem:s12+$0xFFFFFF10];
	v46 =	vmul.f32 v17, v11  }
0x1de: {  	v15 =	vmul.f32 v47, v6;
	[tilespmem:s31+$0xFFFFFF80] =	vst v56;
	v13 =	vld [tilespmem:s12+$0x90]  }
0x1df: {  	v60 =	vld [tilespmem:s12+$0xFFFFFF90];
	v50 =	vadd.f32 v46, v19  }
0x1e0: {  	v15 =	vadd.f32 v24, v15;
	v23 =	vld [tilespmem:$0x4010]  }
0x1e1: {  	v12 =	vmul.f32 v51, v4;
	v61 =	vld [tilespmem:$0x4010];
	[tilespmem:s31+$0x0] =	vst v50  }
0x1e2: {  	[tilespmem:s28+$0xFFFFFFD0] =	vst v15;
	v57 =	vld [tilespmem:s12+$0x10]  }
0x1e3: {  	v41 =	vld [tilespmem:s29+$0xFFFFFFE0];
	v12 =	vadd.f32 v37, v12;
	v13 =	vmul.f32 v13, v8  }
0x1e4: {  	v62 =	vmul.f32 v60, v10;
	v59 =	vld [tilespmem:$0x4010]  }
0x1e5: {  	v22 =	vld [tilespmem:$0x4010];
	[tilespmem:s28+$0xD0] =	vst v12;
	v13 =	vadd.f32 v23, v13  }
0x1e6: {  	v51 =	vld [tilespmem:s29+$0xE0];
	v27 =	vadd.f32 v61, v62  }
0x1e7: {  	v20 =	vmul.f32 v58, v9;
	v58 =	vld [tilespmem:$0x4060];
	[tilespmem:s31+$0x90] =	vst v13;
	v16 =	vmul.f32 v57, v11  }
0x1e8: {  	[tilespmem:s31+$0xFFFFFF90] =	vst v27;
	v33 =	vld [tilespmem:s12+$0xA0]  }
0x1e9: {  	v30 =	vld [tilespmem:s12+$0xFFFFFFA0];
	v14 =	vadd.f32 v59, v16  }
0x1ea: {  	v20 =	vadd.f32 v22, v20;
	v36 =	vld [tilespmem:$0x4020]  }
0x1eb: {  	v32 =	vmul.f32 v54, v7;
	v34 =	vld [tilespmem:$0x4020];
	[tilespmem:s31+$0x10] =	vst v14  }
0x1ec: {  	[tilespmem:s31+$0xFFFFFF10] =	vst v20;
	v28 =	vld [tilespmem:s12+$0x20]  }
0x1ed: {  	v13 =	vadd.f32 v25, v32;
	v31 =	vld [tilespmem:s12+$0xFFFFFF20];
	v42 =	vmul.f32 v33, v8  }
0x1ee: {  	v39 =	vmul.f32 v30, v10;
	v29 =	vld [tilespmem:$0x4020]  }
0x1ef: {  	v61 =	vld [tilespmem:$0x4060];
	[tilespmem:s28+$0x60] =	vst v13;
	v13 =	vadd.f32 v36, v42  }
0x1f0: {  	v35 =	vld [tilespmem:$0x4020];
	v14 =	vadd.f32 v34, v39  }
0x1f1: {  	v15 =	vld [tilespmem:s29+$0x70];
	[tilespmem:s31+$0xA0] =	vst v13;
	v16 =	vmul.f32 v28, v11  }
0x1f2: {  	[tilespmem:s31+$0xFFFFFFA0] =	vst v14;
	v46 =	vld [tilespmem:s12+$0xB0]  }
0x1f3: {  	v40 =	vmul.f32 v31, v9;
	v14 =	vld [tilespmem:s12+$0xFFFFFFB0];
	v38 =	vadd.f32 v29, v16  }
0x1f4: {  	v45 =	vmul.f32 v49, v5;
	v49 =	vld [tilespmem:$0x4030]  }
0x1f5: {  	v47 =	vld [tilespmem:$0x4030];
	v16 =	vadd.f32 v35, v40;
	[tilespmem:s31+$0x20] =	vst v38  }
0x1f6: {  	v13 =	vadd.f32 v63, v45;
	v43 =	vld [tilespmem:s12+$0x30]  }
0x1f7: {  	v17 =	vmul.f32 v46, v8;
	[tilespmem:s31+$0xFFFFFF20] =	vst v16;
	v44 =	vld [tilespmem:$0x4030]  }
0x1f8: {  	[tilespmem:s28+$0xFFFFFF50] =	vst v13;
	v14 =	vmul.f32 v14, v10;
	v16 =	vld [tilespmem:s12+$0xFFFFFF30]  }
0x1f9: {  	v50 =	vld [tilespmem:s29+$0xFFFFFF60];
	v53 =	vadd.f32 v49, v17  }
0x1fa: {  	v48 =	vld [tilespmem:$0x4030];
	v14 =	vadd.f32 v47, v14  }
0x1fb: {  	v60 =	vld [tilespmem:$0x4060];
	[tilespmem:s31+$0xB0] =	vst v53;
	v18 =	vmul.f32 v43, v11  }
0x1fc: {  	[tilespmem:s31+$0xFFFFFFB0] =	vst v14;
	v14 =	vld [tilespmem:s12+$0xC0]  }
0x1fd: {  	v54 =	vld [tilespmem:s12+$0xFFFFFFC0];
	v16 =	vmul.f32 v16, v9;
	v18 =	vadd.f32 v44, v18  }
0x1fe: {  	v59 =	vld [tilespmem:$0x4040]  }
0x1ff: {  	v56 =	vld [tilespmem:$0x4040];
	v16 =	vadd.f32 v48, v16;
	[tilespmem:s31+$0x30] =	vst v18  }
0x200: {  	v12 =	vmul.f32 v50, v5;
	v18 =	vld [tilespmem:s12+$0x40]  }
0x201: {  	v14 =	vmul.f32 v14, v8;
	[tilespmem:s31+$0xFFFFFF30] =	vst v16;
	v52 =	vld [tilespmem:$0x4040]  }
0x202: {  	v12 =	vadd.f32 v60, v12;
	v55 =	vld [tilespmem:s12+$0xFFFFFF40]  }
0x203: {  	v13 =	vld [tilespmem:$0x4070];
	v16 =	vmul.f32 v54, v10;
	v14 =	vadd.f32 v59, v14  }
0x204: {  	[tilespmem:s26+$0xFFFFFF60] =	vst v12;
	v57 =	vld [tilespmem:$0x4040]  }
0x205: {  	v36 =	vld [tilespmem:s29+$0xFFFFFF70];
	v16 =	vadd.f32 v56, v16;
	[tilespmem:s31+$0xC0] =	vst v14;
	v18 =	vmul.f32 v18, v11  }
0x206: {  	v31 =	vld [tilespmem:s12+$0xD0]  }
0x207: {  	[tilespmem:s31+$0xFFFFFFC0] =	vst v16;
	v33 =	vld [tilespmem:$0x4050];
	v17 =	vmul.f32 v55, v9;
	v18 =	vadd.f32 v52, v18  }
0x208: {  	v16 =	vld [tilespmem:s12+$0xFFFFFFD0]  }
0x209: {  	v29 =	vld [tilespmem:$0x4050];
	v17 =	vadd.f32 v57, v17;
	[tilespmem:s31+$0x40] =	vst v18  }
0x20a: {  	v30 =	vmul.f32 v51, v4;
	v62 =	vld [tilespmem:s12+$0x50]  }
0x20b: {  	v38 =	vmul.f32 v31, v8;
	[tilespmem:s31+$0xFFFFFF40] =	vst v17;
	v63 =	vld [tilespmem:$0x4050]  }
0x20c: {  	v14 =	vadd.f32 v61, v30;
	v28 =	vld [tilespmem:s12+$0xFFFFFF50]  }
0x20d: {  	v27 =	vmul.f32 v41, v6;
	v49 =	vld [tilespmem:$0x4070];
	v16 =	vmul.f32 v16, v10;
	v41 =	vadd.f32 v33, v38  }
0x20e: {  	[tilespmem:s26+$0xE0] =	vst v14;
	v32 =	vld [tilespmem:$0x4050]  }
0x20f: {  	v37 =	vld [tilespmem:s29+$0xF0];
	v16 =	vadd.f32 v29, v16;
	[tilespmem:s31+$0xD0] =	vst v41;
	v22 =	vmul.f32 v62, v11  }
0x210: {  	v44 =	vld [tilespmem:s12+$0xE0]  }
0x211: {  	[tilespmem:s31+$0xFFFFFFD0] =	vst v16;
	v47 =	vld [tilespmem:$0x4060];
	v19 =	vmul.f32 v28, v9;
	v35 =	vadd.f32 v63, v22  }
0x212: {  	v42 =	vld [tilespmem:s12+$0xFFFFFFE0]  }
0x213: {  	v45 =	vld [tilespmem:$0x4060];
	v19 =	vadd.f32 v32, v19;
	[tilespmem:s31+$0x50] =	vst v35  }
0x214: {  	v39 =	vld [tilespmem:s12+$0x60]  }
0x215: {  	[tilespmem:s31+$0xFFFFFF50] =	vst v19;
	v40 =	vld [tilespmem:$0x4060]  }
0x216: {  	v17 =	vadd.f32 v58, v27;
	v18 =	vmul.f32 v44, v8;
	v43 =	vld [tilespmem:s12+$0xFFFFFF60]  }
0x217: {  	v50 =	vld [tilespmem:$0x4070]  }
0x218: {  	[tilespmem:s26+$0xFFFFFFE0] =	vst v17;
	v17 =	vmul.f32 v42, v10;
	v46 =	vld [tilespmem:$0x4060];
	v51 =	vadd.f32 v47, v18  }
0x219: {  	v34 =	vld [tilespmem:s29+$0xFFFFFFF0];
	v20 =	vmul.f32 v39, v11  }
0x21a: {  	v48 =	vld [tilespmem:$0x4070];
	v17 =	vadd.f32 v45, v17;
	[tilespmem:s31+$0xE0] =	vst v51  }
0x21b: {  	v57 =	vld [tilespmem:s12+$0xF0];
	v16 =	vmul.f32 v43, v9;
	v20 =	vadd.f32 v40, v20  }
0x21c: {  	[tilespmem:s31+$0xFFFFFFE0] =	vst v17;
	v61 =	vld [tilespmem:$0x4070]  }
0x21d: {  	v53 =	vld [tilespmem:s12+$0xFFFFFFF0];
	v16 =	vadd.f32 v46, v16;
	[tilespmem:s31+$0x60] =	vst v20  }
0x21e: {  	v4 =	vmul.f32 v37, v4;
	v20 =	vld [tilespmem:s12+$0x70]  }
0x21f: {  	v54 =	vmul.f32 v15, v7;
	[tilespmem:s31+$0xFFFFFF60] =	vst v16;
	v52 =	vld [tilespmem:$0x4070]  }
0x220: {  	v5 =	vmul.f32 v36, v5;
	v4 =	vadd.f32 v50, v4;
	v55 =	vld [tilespmem:s12+$0xFFFFFF70]  }
0x221: {  	v7 =	vadd.f32 v13, v54;
	v56 =	vmul.f32 v34, v6;
	v58 =	vld [tilespmem:$0x4070]  }
0x222: {  	v5 =	vadd.f32 v49, v5;
	[tilespmem:s26+$0xF0] =	vst v4;
	v4 =	vmul.f32 v57, v8;
	v59 =	vld [tilespmem:$0x4070]  }
0x223: {  	[tilespmem:s26+$0x70] =	vst v7;
	v6 =	vadd.f32 v48, v56;
	v60 =	vmul.f32 v20, v11  }
0x224: {  	[tilespmem:s26+$0xFFFFFF70] =	vst v5;
	v62 =	vmul.f32 v53, v10;
	v4 =	vadd.f32 v61, v4  }
0x225: {  	[tilespmem:s26+$0xFFFFFFF0] =	vst v6;
	v63 =	vmul.f32 v55, v9;
	v5 =	vadd.f32 v52, v60  }
0x226: {  	v6 =	vadd.f32 v58, v62;
	[tilespmem:s31+$0xF0] =	vst v4  }
0x227: {  	[tilespmem:s31+$0x70] =	vst v5;
	v5 =	vadd.f32 v59, v63  }
0x228: {  	[tilespmem:s31+$0xFFFFFFF0] =	vst v6  }
0x229: {  	[tilespmem:s31+$0xFFFFFF70] =	vst v5  }
0x22a: {  	[hbm4b:s9+s2] =	stream.linear.scatter [tilespmem:s22], [sflag:$0x2], $0x80, $0x38;
	[tilespmem:$0xC300] =	vst v63  }
0x22b: {  	s25 =	sadd.s32 $0x1, s25;
	_ =	swait.ge [sflag:s23], $0x80  }
0x22c: {  	p0 =	sne.s32 s25, s11;
	[sflag:s23] =	ssyncset.done $0x0  }
.Ltmp10:
0x22d: {  	[sflag:s23] =	ssyncadd.s32 $0xFFFFFF80;
	(pc) =	sbr.rel @p0 .LBB2_1-.Ltmp10, $4  }
0x22e: {  	[hbm4b:s10+s2] =	stream.linear.scatter [tilespmem:s24], [sflag:$0x2], $0x4000, $0x38;
	[tilespmem:$0xC300] =	vst v63  }
0x22f: {  	_ =	swait.ge [sflag:s23], $0x4000  }
0x230: {  	[sflag:s23] =	ssyncset.done $0x0  }
0x231: {  	[sflag:s23] =	ssyncadd.s32 $0xFFFFC000  }
0x232: {  	_ =	sfence.sel $0x180000  }
0x233: {  	[bflag:$0x0] =	sbarrier.arrive $0xFFFF  }
0x234: {  	_ =	strace $0x90000047  }
0x235: {  	s0 =	stileid.u32;
	[bflag:$0x2] =	sbarrier.arrive $0xFFFF  }
0x236: {  	p0 =	sne.s32 s0, $0x0;
	s0 =	rddreg [dreg:$0x2]  }
0x237: {  	s0 =	sadd.s32 @!p0 $0x100000, s0  }
0x238: {  	[sflag:s0] =	ssyncadd.tile.s32 @!p0 $0x1;
	_ =	shalt  }
.Lfunc_end2:
_tile_overlayer_lowered:
.L_overlay_start_2:
0x239: {  	(tag) =	ssettag $0x2  }
0x23a: {  	s0 =	rddreg [dreg:$0x0];
	s2 =	stileid.u32  }
0x23b: {  	s1 =	rddreg [dreg:$0x1];
	p0 =	sne.s32 s2, $0x0  }
0x23c: {  	s3 =	rddreg [dreg:$0x2];
	[bflag:$0x3] =	sbarrier.arrive $0xFFFF;
	s2 =	simm.s32 @!p0 $0x1C02  }
0x23d: {  	[timem:s3], [sflag:s2] =	dma.local @!p0 [hbm:s0], s1  }
0x23e: {  	s0 =	simm.s32 @!p0 $0x2  }
0x23f: {  	_ =	swait.ge @!p0 [sflag:s0], s1  }
0x240: {  	s1 =	ssub.s32 @!p0 $0x0, s1;
	[sflag:s0] =	ssyncset.done @!p0 $0x0  }
0x241: {  	[sflag:s0] =	ssyncadd.s32 @!p0 s1  }
0x242: {  	[bflag:$0x3] =	sbarrier.arrive $0xFFFF  }
0x243: {  	_ =	shalt  }

// kernel: kernel.9.cloned.1.call-start
scs
__scs_entry_jumppad:
0x0: {  	(pc) =	sbr.rel $0x88, $3  }
0x1: {  	(tag) =	ssettag $0x0;
	lr =	simm.s32 $0x1  }
0x2: {  	[smem:$0x3F91] =	sst lr;
	_ =	strace $0xD0000000  }
0x3: {  	_ = 	snop  }
0x4: {  	_ = 	snop  }
0x5: {  	_ = 	snop  }
0x6: {  	_ = 	snop  }
0x7: {  	_ = 	snop  }
__scs_overlays_trampoline_lowered:
0x8: {  	[smem:$0x3FA0] =	sst s0  }
0x9: {  	[smem:$0x3FA1] =	sst s1  }
0xa: {  	[smem:$0x3FA2] =	sst s2  }
0xb: {  	[smem:$0x3FA3] =	sst s3  }
0xc: {  	[smem:$0x3FA4] =	sst s4  }
0xd: {  	[smem:$0x3FA5] =	sst s5  }
0xe: {  	[smem:$0x3FA6] =	sst s6  }
0xf: {  	[smem:$0x3FA7] =	sst s7  }
0x10: {  	[smem:$0x3FA8] =	sst s8  }
0x11: {  	[smem:$0x3FA9] =	sst s9;
	s0 =	simm.s32 @!p0 $0x0  }
0x12: {  	s1 =	sld [smem:$0x3F8F];
	s0 =	simm.s32 @p0 $0x1  }
0x13: {  	[smem:$0x3FAA] =	sst s0;
	s0 =	simm.s32 @!p1 $0x0  }
0x14: {  	s2 =	sld [smem:$0x3F8E];
	s0 =	simm.s32 @p1 $0x1  }
0x15: {  	[smem:$0x3FAB] =	sst s0;
	s0 =	simm.s32 @!p2 $0x0  }
0x16: {  	s3 =	sld [smem:$0x3FDB];
	s0 =	simm.s32 @p2 $0x1  }
0x17: {  	s4 =	simm.s32 $0x1BF5;
	[smem:$0x3FAD] =	sst s0  }
0x18: {  	s0 =	sld [smem:$0x3F90];
	_ =	swait.ge [sflag:s4], $0x0  }
0x19: {  	s7 =	sld [smem:$0x3F91]  }
0x1a: {  	s8 =	sadd.s32 $0xFFFFE003, lr  }
0x1b: {  	s9 =	sadd.s32 $0xFFFFFEF7, lr;
	s5 =	simm.s32 $0xFFFFFFFF;
	p2 =	slt.u32 s8, $0xFFFFF086  }
0x1c: {  	p1 =	slt.u32 s9, $0xF7A;
	s5 =	simm.s32 @!p2 $0x0  }
0x1d: {  	s5 =	simm.s32 @p1 $0x1;
	p0 =	seq.s32 s7, s2  }
0x1e: {  	s7 =	smul.u32 @!p0 $0xF7A, s2;
	p2 =	seq.s32 @!p0 s5, $0x0  }
0x1f: {  	s9 =	smul.u32 $0xF7A, s1;
	s8 =	simm.s32 @!p0 $0x1BF5;
	p2 =	por !p2, p0  }
0x20: {  	[sflag:s8] =	ssyncset.s32 @!p0 $0xFFFFF086;
	s6 =	sadd.s32 @!p0 s3, s7;
	s7 =	simm.s32 @!p0 $0x108  }
0x21: {  	s3 =	sadd.s32 s3, s9;
	s6 =	sadd.s32 @!p0 $0x88, s6;
	s7 =	simm.s32 @p2 $0x1082  }
0x22: {  	[simem:s7], [sflag:s8] =	dma.local @!p0 [hbm:s6], $0xF7A  }
0x23: {  	s9 =	sor.u32 $0xD0000000, s2;
	s6 =	simm.s32 $0x108;
	_ =	swait.ge @!p0 [sflag:s8], $0x0  }
0x24: {  	s3 =	sadd.s32 $0x88, s3;
	s6 =	simm.s32 @!p1 $0x1082;
	[sflag:s4] =	ssyncset.s32 $0xFFFFF086  }
0x25: {  	[simem:s6], [sflag:s4] =	dma.local [hbm:s3], $0xF7A  }
0x26: {  	[smem:$0x3F91] =	sst s1;
	(tag) =	ssettag s2;
	_ =	strace s9  }
0x27: {  	s1 =	sld [smem:$0x3FA1]  }
0x28: {  	s2 =	sld [smem:$0x3FA2]  }
0x29: {  	s4 =	sld [smem:$0x3FA4]  }
0x2a: {  	p0 =	seq.s32 s5, $0x0;
	s5 =	sld [smem:$0x3FA5]  }
0x2b: {  	s6 =	sld [smem:$0x3FA6]  }
0x2c: {  	s7 =	sld [smem:$0x3FA7]  }
0x2d: {  	s3 =	simm.s32 $0x108;
	s8 =	sld [smem:$0x3FA8]  }
0x2e: {  	s3 =	simm.s32 @!p0 $0x1082;
	s9 =	sld [smem:$0x3FA9]  }
0x2f: {  	lr =	sadd.s32 s0, s3;
	s0 =	sld [smem:$0x3FA0]  }
0x30: {  	s3 =	sld [smem:$0x3FA3]  }
0x31: {  	[smem:$0x3FAC] =	sst s10  }
0x32: {  	s10 =	sld [smem:$0x3FAA];
	_ =	sdelay $0x3  }
0x33: {  	p0 =	seq.s32 s10, $0x1;
	s10 =	sld [smem:$0x3FAC];
	_ =	sdelay $0x3  }
0x34: {  	[smem:$0x3FAC] =	sst s10  }
0x35: {  	s10 =	sld [smem:$0x3FAB];
	_ =	sdelay $0x3  }
0x36: {  	p1 =	seq.s32 s10, $0x1;
	s10 =	sld [smem:$0x3FAC];
	_ =	sdelay $0x3  }
0x37: {  	[smem:$0x3FAC] =	sst s10  }
0x38: {  	s10 =	sld [smem:$0x3FAD]  }
0x39: {  	_ = 	snop;
	(pc) =	sbr.ind lr, $3  }
0x3a: {  	_ = 	snop  }
0x3b: {  	_ = 	snop  }
0x3c: {  	p2 =	seq.s32 s10, $0x1;
	s10 =	sld [smem:$0x3FAC]  }
0x3d: {  	_ =	shalt  }
0x3e: {  	_ =	shalt  }
0x3f: {  	_ =	shalt  }
0x40: {  	_ =	shalt  }
0x41: {  	_ =	shalt  }
0x42: {  	_ =	shalt  }
0x43: {  	_ =	shalt  }
0x44: {  	_ =	shalt  }
0x45: {  	_ =	shalt  }
0x46: {  	_ =	shalt  }
0x47: {  	_ =	shalt  }
0x48: {  	_ =	shalt  }
0x49: {  	_ =	shalt  }
0x4a: {  	_ =	shalt  }
0x4b: {  	_ =	shalt  }
0x4c: {  	_ =	shalt  }
0x4d: {  	_ =	shalt  }
0x4e: {  	_ =	shalt  }
0x4f: {  	_ =	shalt  }
0x50: {  	_ =	shalt  }
0x51: {  	_ =	shalt  }
0x52: {  	_ =	shalt  }
0x53: {  	_ =	shalt  }
0x54: {  	_ =	shalt  }
0x55: {  	_ =	shalt  }
0x56: {  	_ =	shalt  }
0x57: {  	_ =	shalt  }
0x58: {  	_ =	shalt  }
0x59: {  	_ =	shalt  }
0x5a: {  	_ =	shalt  }
0x5b: {  	_ =	shalt  }
0x5c: {  	_ =	shalt  }
0x5d: {  	_ =	shalt  }
0x5e: {  	_ =	shalt  }
0x5f: {  	_ =	shalt  }
0x60: {  	_ =	shalt  }
0x61: {  	_ =	shalt  }
0x62: {  	_ =	shalt  }
0x63: {  	_ =	shalt  }
0x64: {  	_ =	shalt  }
0x65: {  	_ =	shalt  }
0x66: {  	_ =	shalt  }
0x67: {  	_ =	shalt  }
0x68: {  	_ =	shalt  }
0x69: {  	_ =	shalt  }
0x6a: {  	_ =	shalt  }
0x6b: {  	_ =	shalt  }
0x6c: {  	_ =	shalt  }
0x6d: {  	_ =	shalt  }
0x6e: {  	_ =	shalt  }
0x6f: {  	_ =	shalt  }
0x70: {  	_ =	shalt  }
0x71: {  	_ =	shalt  }
0x72: {  	_ =	shalt  }
0x73: {  	_ =	shalt  }
0x74: {  	_ =	shalt  }
0x75: {  	_ =	shalt  }
0x76: {  	_ =	shalt  }
0x77: {  	_ =	shalt  }
0x78: {  	_ =	shalt  }
0x79: {  	_ =	shalt  }
0x7a: {  	_ =	shalt  }
0x7b: {  	_ =	shalt  }
0x7c: {  	_ =	shalt  }
0x7d: {  	_ =	shalt  }
0x7e: {  	_ =	shalt  }
0x7f: {  	_ =	shalt  }
0x80: {  	_ =	shalt  }
0x81: {  	_ =	shalt  }
0x82: {  	_ =	shalt  }
0x83: {  	_ =	shalt  }
0x84: {  	_ =	shalt  }
0x85: {  	_ =	shalt  }
0x86: {  	_ =	shalt  }
0x87: {  	_ =	shalt  }
.Lfunc_end0:
.L_simem_size_0:
called_computation.1_lowered:
.L_overlay_start_0:
0x88: {  	s2 =	sld [smem:$0x3FD9]  }
0x89: {  	s3 =	sld [smem:$0x3FFE];
	_ =	sdelay $0x1  }
0x8a: {  	s1 =	srdreg.scid  }
0x8b: {  	s0 =	sand.u32 $0x1, s1  }
0x8c: {  	s17 =	sshll.u32 s0, $0xA;
	s2 =	sadd.s32 s3, s2  }
0x8d: {  	s2 =	sadd.s32 s2, s17  }
0x8e: {  	[smem:$0x3FB8] =	sst s2  }
0x8f: {  	_ = 	snop  }
0x90: {  	s2 =	sld [smem:$0x3FD0];
	(tm) =	ssettm $0x1  }
0x91: {  	s18 =	sld [smem:$0x3FFB];
	_ =	sdelay $0x3  }
0x92: {  	_ =	strace s18  }
0x93: {  	s3 =	sld [smem:$0x3FFC];
	_ =	sdelay $0x3  }
0x94: {  	_ =	strace s3  }
0x95: {  	s3 =	sld [smem:$0x3FFD];
	_ =	sdelay $0x3  }
0x96: {  	_ =	strace s3  }
0x97: {  	_ =	strace $0x8FFFFFFF  }
0x98: {  	s19 =	sld [smem:$0x3FDB];
	_ =	sdelay $0x1  }
0x99: {  	s4 =	simm.s32 $_scs_section_size  }
0x9a: {  	s5 =	simm.s32 $_size__tile_overlayer_lowered;
	s6 =	simm.s32 $_tile_overlayer_lowered  }
0x9b: {  	s22 =	simm.s32 $0x1BFF;
	s21 =	sshll.u32 s6, $0x1;
	s3 =	sadd.s32 s4, s19  }
0x9c: {  	s7 =	simm.s32 $0x0;
	s20 =	sshll.u32 s5, $0x1;
	s5 =	sadd.s32 s21, s3  }
0x9d: {  	[timem:s7], [sflag:s22] =	dma.local [hbm:s5], s20  }
0x9e: {  	_ =	swait.ge [sflag:s22], s20  }
0x9f: {  	s4 =	ssub.s32 $0x0, s20;
	[sflag:s22] =	ssyncset.done $0x0  }
0xa0: {  	[sflag:s22] =	ssyncadd.s32 s4;
	_ =	sdelay $0x1  }
0xa1: {  	s23 =	simm.s32 $0x1B8B  }
0xa2: {  	_ =	swait.ge [sflag:s23], $0x1  }
0xa3: {  	[sflag:s23] =	ssyncset.done $0x0  }
0xa4: {  	s25 =	simm.s32 $0x1B8E;
	s24 =	sld [smem:$0x3FFE];
	[sflag:s23] =	ssyncadd.s32 $0xFFFFFFFF  }
0xa5: {  	s26 =	simm.s32 $execute0_lowered;
	[smem:$0x3FD2] =	sst s25  }
0xa6: {  	s5 =	sshll.u32 s26, $0x1;
	_ =	strace $0x80000049;
	[dreg:$0x1] =	wrdreg $0xFFFFFFFF  }
0xa7: {  	s28 =	simm.s32 $_size_execute0_lowered;
	s3 =	sadd.s32 s3, s5;
	[dreg:$0x0] =	wrdreg $0x0  }
0xa8: {  	s5 =	sshll.u32 s28, $0x1;
	[dreg:$0x2] =	wrdreg s3  }
0xa9: {  	[dreg:$0x3] =	wrdreg s5  }
0xaa: {  	[dreg:$0x4] =	wrdreg $0xC0  }
0xab: {  	_ =	task [dreg:s7], $0x5FFFF  }
0xac: {  	[dreg:$0x1] =	wrdreg $0xFFFFFFFF  }
0xad: {  	[dreg:$0x0] =	wrdreg $0x60  }
0xae: {  	[dreg:$0x2] =	wrdreg s24  }
0xaf: {  	[dreg:$0x3] =	wrdreg s2  }
0xb0: {  	[dreg:$0x4] =	wrdreg $0x9  }
0xb1: {  	_ =	task.clear_ibuf [dreg:s7], $0x5FFFF;
	_ =	strace $0x90000049  }
0xb2: {  	s29 =	simm.s32 $0x9;
	_ =	strace $0x8000004B  }
0xb3: {  	_ =	swait.ge [sflag:s29], $0x1  }
0xb4: {  	[sflag:s29] =	ssyncadd.s32 $0xFFFFFFFF  }
0xb5: {  	_ =	strace $0x9000004B  }
0xb6: {  	_ =	sfence  }
0xb7: {  	s30 =	sld [smem:$0x0];
	_ =	sdelay $0x2  }
0xb8: {  	s31 =	sshll.u32 s1, $0xD;
	s1 =	sshrl.u32 s1, $0x2  }
0xb9: {  	s3 =	sand.u32 $0x4000, s31;
	s1 =	sadd.s32 s1, s30  }
0xba: {  	s0 =	sor.u32 s3, s0;
	s1 =	sshll.u32 s1, $0x11  }
0xbb: {  	s0 =	sor.u32 s1, s0  }
0xbc: {  	s0 =	sadd.s32 $0x8F2B, s0  }
0xbd: {  	[sflag:s0] =	ssyncadd.remote.s32 $0x1  }
0xbe: {  	_ =	sfence.sel $0xFFFF  }
0xbf: {  	[dreg:$0x0] =	wrdreg $0xFFFFFFFF;
	(pc) =	sbr.abs _section_cstart, $3  }
0xc0: {  	[dreg:$0x1] =	wrdreg $0xFFFFFFFF  }
0xc1: {  	_ =	task.clear_ibuf [dreg:s7], $0x2FFFF;
	_ =	strace $0x9FFFFFFF  }
0xc2: {  	(tm) =	ssettm $0x7FFFFFFF  }
0xc3: {  	_ =	shalt  }
tec
execute0_lowered:
.L_overlay_start_1:
0x0: {  	(tag) =	ssettag $0x1  }
0x1: {  	s1 =	srdreg.scid  }
0x2: {  	s0 =	stileid.u32;
	s7 =	rddreg [dreg:$0x0];
	s6 =	sand.u32 $0x1, s1  }
0x3: {  	s2 =	rddreg [dreg:$0x1];
	s30 =	sshll.u32 s0, $0x8;
	s3 =	sshll.u32 s6, $0x7  }
0x4: {  	s1 =	rddreg [dreg:$0x2];
	s8 =	sor.u32 s3, s30  }
0x5: {  	s31 =	ssub.s32 $0x2, s6;
	s3 =	simm.s32 $0x0;
	s4 =	sshrl.u32 s8, $0x3  }
0x6: {  	[smem:$0x7FF] =	sst s3;
	s8 =	sshll.u32 s8, $0x4;
	s4 =	sadd.s32 s4, s7  }
0x7: {  	_ =	strace $0x8000004A;
	s5 =	sadd.s32 $0x5C00, s4;
	s4 =	simm.s32 $0x1  }
0x8: {  	[tilespmem:s3], [sflag:$0x1] =	stream.linear.gather [hbm4b:s5+s3], $0x80, $0x38;
	[tilespmem:$0x4080] =	vst v63  }
0x9: {  	s9 =	sshrl.u32 s31, $0x1;
	s7 =	sadd.s32 s8, s7;
	_ =	swait.ge [sflag:s4], $0x80  }
0xa: {  	s8 =	ssub.s32 s31, s9;
	s6 =	sadd.s32 $0x5E00, s7;
	[sflag:s4] =	ssyncset.done $0x0  }
0xb: {  	s7 =	simm.s32 $0x80;
	s8 =	smax.u32 s8, $0x1;
	[sflag:s4] =	ssyncadd.s32 $0xFFFFFF80  }
0xc: {  	[tilespmem:s7], [sflag:$0x1] =	stream.linear.gather [hbm4b:s6+s3], $0x4000, $0x38;
	[tilespmem:$0x4080] =	vst v63  }
0xd: {  	p0 =	sne.s32 s8, $0x1;
	_ =	swait.ge [sflag:s4], $0x4000  }
.Ltmp0:
0xe: {  	[sflag:s4] =	ssyncset.done $0x0;
	(pc) =	sbr.rel @!p0 .LBB2_2-.Ltmp0, $4  }
0xf: {  	[sflag:s4] =	ssyncadd.s32 $0xFFFFC000  }
0x10: {  	[hbm4b:s2+s7] =	stream.indirect.scatter [tilespmem:s7], [sflag:$0x1], $0x80, s3, s7, $0xb8;
	[tilespmem:$0x4080] =	vst v63  }
0x11: {  	_ =	swait.ge [sflag:s4], $0x4000  }
0x12: {  	s8 =	sadd.s32 $0xFFFFFFFF, s8;
	[sflag:s4] =	ssyncset.done $0x0  }
.LBB2_1:
0x13: {  	p0 =	sne.s32 s8, $0x1;
	s8 =	sadd.s32 $0xFFFFFFFF, s8;
	[sflag:s4] =	ssyncadd.s32 $0xFFFFC000  }
0x14: {  	[tilespmem:s3], [sflag:$0x1] =	stream.linear.gather [hbm4b:s5+s3], $0x80, $0x38;
	[tilespmem:$0x4080] =	vst v63  }
0x15: {  	_ =	swait.ge [sflag:s4], $0x80  }
0x16: {  	[sflag:s4] =	ssyncset.done $0x0  }
0x17: {  	[sflag:s4] =	ssyncadd.s32 $0xFFFFFF80  }
0x18: {  	[tilespmem:s7], [sflag:$0x1] =	stream.linear.gather [hbm4b:s6+s3], $0x4000, $0x38;
	[tilespmem:$0x4080] =	vst v63  }
0x19: {  	_ =	swait.ge [sflag:s4], $0x4000  }
.Ltmp1:
0x1a: {  	[sflag:s4] =	ssyncset.done $0x0;
	(pc) =	sbr.rel @p0 .LBB2_1-.Ltmp1, $4  }
0x1b: {  	[sflag:s4] =	ssyncadd.s32 $0xFFFFC000  }
0x1c: {  	[hbm4b:s2+s7] =	stream.indirect.scatter [tilespmem:s7], [sflag:$0x1], $0x80, s3, s7, $0xb8;
	[tilespmem:$0x4080] =	vst v63  }
0x1d: {  	_ =	swait.ge [sflag:s4], $0x4000  }
0x1e: {  	[sflag:s4] =	ssyncset.done $0x0  }
.LBB2_2:
0x1f: {  	[sflag:s4] =	ssyncadd.s32 $0xFFFFC000  }
0x20: {  	_ =	sfence.sel $0x180000  }
0x21: {  	[bflag:$0x0] =	sbarrier.arrive $0xFFFF  }
0x22: {  	p0 =	sne.s32 s0, $0x0;
	_ =	strace $0x9000004A  }
0x23: {  	s0 =	sadd.s32 @!p0 $0x100000, s1;
	[bflag:$0x2] =	sbarrier.arrive $0xFFFF  }
0x24: {  	[sflag:s0] =	ssyncadd.tile.s32 @!p0 $0x1;
	_ =	shalt  }
.Lfunc_end2:
_tile_overlayer_lowered:
.L_overlay_start_2:
0x25: {  	(tag) =	ssettag $0x2  }
0x26: {  	s0 =	rddreg [dreg:$0x0];
	s2 =	stileid.u32  }
0x27: {  	s1 =	rddreg [dreg:$0x1];
	p0 =	sne.s32 s2, $0x0  }
0x28: {  	s3 =	rddreg [dreg:$0x2];
	[bflag:$0x3] =	sbarrier.arrive $0xFFFF;
	s2 =	simm.s32 @!p0 $0x1C01  }
0x29: {  	[timem:s3], [sflag:s2] =	dma.local @!p0 [hbm:s0], s1  }
0x2a: {  	s0 =	simm.s32 @!p0 $0x1  }
0x2b: {  	_ =	swait.ge @!p0 [sflag:s0], s1  }
0x2c: {  	s1 =	ssub.s32 @!p0 $0x0, s1;
	[sflag:s0] =	ssyncset.done @!p0 $0x0  }
0x2d: {  	[sflag:s0] =	ssyncadd.s32 @!p0 s1  }
0x2e: {  	[bflag:$0x3] =	sbarrier.arrive $0xFFFF  }
0x2f: {  	_ =	shalt  }

</sc_bundles>
